<compile_context>
chip_gen: v7x
topology: tpu7x:2x2x1
jax: 0.10.2.dev20260603
libtpu: 0.0.44.dev20260713+nightly
codegen_flags: <defaults>
</compile_context>

<pallas_src>
import functools

import jax
import jax.numpy as jnp
from jax import lax
from jax.experimental import pallas as pl
from jax.experimental.pallas import tpu as pltpu
from jax.experimental.pallas import tpu_sc as plsc

N_EDGES = 320000
N_NODES = 10000
D = 128

NC, NS = 2, 16
NWORK = NC * NS
EPW = N_EDGES // NWORK
CH = 80
GC = 2 * CH
NPH = 2
KPP = 31
RPP = 2 * KPP
IROWS = N_EDGES // CH
RPW = EPW // CH
IST = 72
RPS = 624
TAIL_R = N_NODES - NS * RPS


def _sc_partials(idx2d, inter):
    mesh = plsc.VectorSubcoreMesh(
        core_axis_name="c", subcore_axis_name="s",
        num_cores=NC, num_subcores=NS,
    )

    @functools.partial(
        pl.kernel,
        out_type=jax.ShapeDtypeStruct((NC, N_NODES, D), jnp.float32),
        mesh=mesh,
        scratch_types=[
            pltpu.VMEM((GC, D), jnp.float32),
            pltpu.VMEM((GC, D), jnp.float32),
            pltpu.VMEM((IST, CH), jnp.int32),
            pltpu.VMEM_SHARED((N_NODES, D), jnp.float32),
            pltpu.SemaphoreType.DMA,
            pltpu.SemaphoreType.DMA,
            pltpu.SemaphoreType.DMA,
            pltpu.SemaphoreType.DMA,
        ],
    )
    def k(idx_hbm, inter_hbm, part_hbm, bufa, bufb, ibuf, acc,
          gsa, gsb, ssa, ssb):
        cid = lax.axis_index("c")
        sid = lax.axis_index("s")
        wid = sid * NC + cid
        ebase = wid * EPW

        def g_desc(base_e, buf, sem):
            return pltpu.make_async_copy(
                inter_hbm.at[pl.ds(base_e, GC)], buf, sem)

        def s_desc(row, half, buf, sem):
            return pltpu.make_async_copy(
                buf.at[pl.ds(half * CH, CH)], acc.at[ibuf.at[row]], sem)

        def stage_idx(p):
            prow = wid * RPW + p * RPP
            arow = pl.multiple_of(
                lax.min(prow - lax.rem(prow, 8), IROWS - IST), 8)
            pltpu.sync_copy(idx_hbm.at[pl.ds(arow, IST)], ibuf)
            return prow - arow

        g_desc(ebase, bufa, gsa).start()

        @pl.loop(0, GC)
        def _(r):
            @pl.loop(0, D, step=16)
            def _(j):
                bufb[r, pl.ds(j, 16)] = jnp.zeros((16,), jnp.float32)

        base_r = sid * RPS
        zdescs = [
            (acc.at[pl.ds(base_r + t * GC, GC)], bufb)
            for t in range(RPS // GC)
        ] + [(acc.at[pl.ds(base_r + (RPS // GC) * GC, RPS % GC)],
              bufb.at[pl.ds(0, RPS % GC)])]
        for dst, src in zdescs:
            pltpu.make_async_copy(src, dst, ssb).start()

        @pl.when(sid == NS - 1)
        def _():
            pltpu.sync_copy(bufb.at[pl.ds(0, TAIL_R)],
                            acc.at[pl.ds(NS * RPS, TAIL_R)])

        r0_first = stage_idx(0)
        for dst, src in zdescs:
            pltpu.make_async_copy(src, dst, ssb).wait()
        g_desc(ebase + GC, bufb, gsb).start()

        plsc.subcore_barrier()

        for p in range(NPH):
            r0 = r0_first if p == 0 else stage_idx(p)
            pbase = ebase + p * (KPP * GC)

            def scat(k2, buf, sem):
                s_desc(k2, 0, buf, sem).start(add=True)
                s_desc(k2 + 1, 1, buf, sem).start(add=True)
                s_desc(k2, 0, buf, sem).wait()
                s_desc(k2 + 1, 1, buf, sem).wait()

            if p > 0:
                g_desc(pbase, bufa, gsa).start()
                g_desc(pbase + GC, bufb, gsb).start()

            @pl.loop(0, (KPP - 1) // 2)
            def _(j):
                c = 2 * j
                g_desc(pbase + c * GC, bufa, gsa).wait()
                scat(r0 + 2 * c, bufa, ssa)
                g_desc(pbase + (c + 2) * GC, bufa, gsa).start()
                g_desc(pbase + (c + 1) * GC, bufb, gsb).wait()
                scat(r0 + 2 * (c + 1), bufb, ssb)

                @pl.when(c + 3 < KPP)
                def _():
                    g_desc(pbase + (c + 3) * GC, bufb, gsb).start()

            lastc = KPP - 1
            g_desc(pbase + lastc * GC, bufa, gsa).wait()
            scat(r0 + 2 * lastc, bufa, ssa)

            if p == NPH - 1:
                tbase = ebase + NPH * KPP * GC
                pltpu.make_async_copy(
                    inter_hbm.at[pl.ds(tbase, CH)],
                    bufb.at[pl.ds(0, CH)], gsb).start()
                pltpu.make_async_copy(
                    inter_hbm.at[pl.ds(tbase, CH)],
                    bufb.at[pl.ds(0, CH)], gsb).wait()
                s_desc(r0 + RPP, 0, bufb, ssb).start(add=True)
                s_desc(r0 + RPP, 0, bufb, ssb).wait()

        plsc.subcore_barrier()
        pltpu.sync_copy(acc.at[pl.ds(base_r, RPS)],
                        part_hbm.at[cid, pl.ds(base_r, RPS)])

        @pl.when(sid == NS - 1)
        def _():
            pltpu.sync_copy(acc.at[pl.ds(NS * RPS, TAIL_R)],
                            part_hbm.at[cid, pl.ds(NS * RPS, TAIL_R)])

    return k(idx2d, inter)


_CBLK = 2000


def _combine(parts):
    def body(p_ref, o_ref):
        o_ref[...] = p_ref[0] + p_ref[1]

    return pl.pallas_call(
        body,
        grid=(N_NODES // _CBLK,),
        in_specs=[pl.BlockSpec((NC, _CBLK, D), lambda i: (0, i, 0))],
        out_specs=pl.BlockSpec((_CBLK, D), lambda i: (i, 0)),
        out_shape=jax.ShapeDtypeStruct((N_NODES, D), jnp.float32),
    )(parts)


def kernel(idx_i, inter):
    idx2d = idx_i.astype(jnp.int32).reshape(IROWS, CH)
    parts = _sc_partials(idx2d, inter)
    return _combine(parts)

# --- scband reference (transcript-rebuilt; emitter-appended) ---
"""Pipeline reference for scband-iplayer-12532714569874 (READ-ONLY COPY).

The authoritative reference and input builder live on the scoring server;
editing this copy changes nothing except your own understanding.
"""

import jax, jax.numpy as jnp
import numpy as np

N_EDGES = 320000
N_NODES = 10000
D_FEAT = 128

def setup_inputs(seed: int = 0) -> dict:
    key = jax.random.key(seed)
    k1, k2 = jax.random.split(key)
    idx_i = jnp.sort(jax.random.randint(k1, (N_EDGES,), 0, N_NODES, dtype=jnp.int64))
    inter = jax.random.normal(k2, (N_EDGES, D_FEAT), dtype=jnp.float32)
    return {"idx_i": idx_i, "inter": inter}

def reference(idx_i, inter):
    # scatter_add(inter, idx_i, dim=0) -> segment sum over destination indices
    out = jax.ops.segment_sum(inter, idx_i, num_segments=N_NODES)
    return out

if __name__ == "__main__":
    import jax
    _d = setup_inputs()
    print(jax.jit(kernel)(*tuple(_d.values())))

</pallas_src>

<mosaic_0001>
#map = affine_map<(d0, d1) -> (0, 0)>
#map1 = affine_map<(d0, d1) -> (0, 0, 0)>
module attributes {stable_mosaic.version = 14 : i64} {
  func.func @k(%arg0: i32, %arg1: i32, %arg2: memref<4000x80xi32, #tpu.memory_space<hbm>>, %arg3: memref<320000x128xf32, #tpu.memory_space<hbm>>, %arg4: memref<2x10000x128xf32, #tpu.memory_space<hbm>>, %arg5: memref<160x128xf32, #tpu.memory_space<vmem>>, %arg6: memref<160x128xf32, #tpu.memory_space<vmem>>, %arg7: memref<72x80xi32, #tpu.memory_space<vmem>>, %arg8: memref<10000x128xf32, #tpu.memory_space<vmem_shared>>, %arg9: memref<!tpu.dma_semaphore, #tpu.memory_space<semaphore_mem>>, %arg10: memref<!tpu.dma_semaphore, #tpu.memory_space<semaphore_mem>>, %arg11: memref<!tpu.dma_semaphore, #tpu.memory_space<semaphore_mem>>, %arg12: memref<!tpu.dma_semaphore, #tpu.memory_space<semaphore_mem>>) attributes {dimension_semantics = [#tpu.dimension_semantics<core_parallel>, #tpu.dimension_semantics<subcore_parallel>], iteration_bounds = array<i64: 2, 16>, scalar_prefetch = 0 : i64, scratch_operands = 8 : i64, tpu.core_type = #tpu.core_type<sc_vector_subcore>, window_params = [{transform_indices = #map}, {transform_indices = #map}, {transform_indices = #map1}]} {
    %mul3A = arith.constant 2 : i32
    %mul3A_0 = arith.muli %arg1, %mul3A : i32
    %add3A = arith.addi %mul3A_0, %arg0 : i32
    %mul3A_1 = arith.constant 10000 : i32
    %mul3A_2 = arith.muli %add3A, %mul3A_1 : i32
    %dma_start3A = arith.constant 0 : i32
    %dma_start3A_3 = tpu.memref_slice %arg3[%mul3A_2, %dma_start3A] : memref<320000x128xf32, #tpu.memory_space<hbm>> -> memref<160x128xf32, #tpu.memory_space<hbm>>
    %dma_start3A_4 = arith.constant 0 : i32
    %dma_start3A_5 = tpu.memref_slice %arg3[%mul3A_2, %dma_start3A_4] : memref<320000x128xf32, #tpu.memory_space<hbm>> -> memref<160x128xf32, #tpu.memory_space<hbm>>
    tpu.enqueue_dma source(%dma_start3A_5 : memref<160x128xf32, #tpu.memory_space<hbm>>) target(%arg5 : memref<160x128xf32, #tpu.memory_space<vmem>>) target_semaphore(%arg9 : memref<!tpu.dma_semaphore, #tpu.memory_space<semaphore_mem>>)
    %scan3A = arith.constant 0 : i32
    %scan3A_6 = arith.constant 160 : i32
    %scan3A_7 = arith.addi %scan3A, %scan3A_6 : i32
    %scan3A_8 = arith.constant 1 : i32
    scf.for %scan3A_259 = %scan3A to %scan3A_7 step %scan3A_8  : i32 {
      %mul3A_260 = arith.constant 1 : i32
      %mul3A_261 = arith.muli %scan3A_259, %mul3A_260 : i32
      %add3A_262 = arith.constant 0 : i32
      %add3A_263 = arith.addi %add3A_262, %mul3A_261 : i32
      %scan3A_264 = arith.constant 0 : i32
      %scan3A_265 = arith.constant 8 : i32
      %scan3A_266 = arith.addi %scan3A_264, %scan3A_265 : i32
      %scan3A_267 = arith.constant 1 : i32
      scf.for %scan3A_269 = %scan3A_264 to %scan3A_266 step %scan3A_267  : i32 {
        %mul3A_270 = arith.constant 16 : i32
        %mul3A_271 = arith.muli %scan3A_269, %mul3A_270 : i32
        %add3A_272 = arith.constant 0 : i32
        %add3A_273 = arith.addi %add3A_272, %mul3A_271 : i32
        %broadcast_in_dim3A = arith.constant 0.000000e+00 : f32
        %broadcast_in_dim3A_274 = vector.broadcast %broadcast_in_dim3A : f32 to vector<16xf32>
        %swap3A = arith.index_cast %add3A_263 : i32 to index
        %swap3A_275 = arith.index_cast %add3A_273 : i32 to index
        %swap3A_276 = tpu.vector_load %arg6[%swap3A, %swap3A_275] {strides = array<i32>} : memref<160x128xf32, #tpu.memory_space<vmem>>, vector<1x16xf32>,
        %swap3A_277 = vector.shape_cast %swap3A_276 : vector<1x16xf32> to vector<16xf32>
        %swap3A_278 = vector.shape_cast %broadcast_in_dim3A_274 : vector<16xf32> to vector<1x16xf32>
        tpu.vector_store %arg6[%swap3A, %swap3A_275], %swap3A_278 {strides = array<i32>} : memref<160x128xf32, #tpu.memory_space<vmem>>, vector<1x16xf32>,
      }
      %scan3A_268 = arith.constant 8 : i32
    }
    %scan3A_9 = arith.constant 160 : i32
    %mul3A_10 = arith.constant 624 : i32
    %mul3A_11 = arith.muli %arg1, %mul3A_10 : i32
    %add3A_12 = arith.constant 0 : i32
    %add3A_13 = arith.addi %mul3A_11, %add3A_12 : i32
    %add3A_14 = arith.constant 160 : i32
    %add3A_15 = arith.addi %mul3A_11, %add3A_14 : i32
    %add3A_16 = arith.constant 320 : i32
    %add3A_17 = arith.addi %mul3A_11, %add3A_16 : i32
    %add3A_18 = arith.constant 480 : i32
    %add3A_19 = arith.addi %mul3A_11, %add3A_18 : i32
    %dma_start3A_20 = arith.constant 0 : i32
    %dma_start3A_21 = tpu.memref_slice %arg8[%add3A_13, %dma_start3A_20] : memref<10000x128xf32, #tpu.memory_space<vmem_shared>> -> memref<160x128xf32, #tpu.memory_space<vmem_shared>>
    %dma_start3A_22 = arith.constant 0 : i32
    %dma_start3A_23 = tpu.memref_slice %arg8[%add3A_13, %dma_start3A_22] : memref<10000x128xf32, #tpu.memory_space<vmem_shared>> -> memref<160x128xf32, #tpu.memory_space<vmem_shared>>
    tpu.enqueue_dma source(%arg6 : memref<160x128xf32, #tpu.memory_space<vmem>>) target(%dma_start3A_23 : memref<160x128xf32, #tpu.memory_space<vmem_shared>>) target_semaphore(%arg12 : memref<!tpu.dma_semaphore, #tpu.memory_space<semaphore_mem>>)
    %dma_start3A_24 = arith.constant 0 : i32
    %dma_start3A_25 = tpu.memref_slice %arg8[%add3A_15, %dma_start3A_24] : memref<10000x128xf32, #tpu.memory_space<vmem_shared>> -> memref<160x128xf32, #tpu.memory_space<vmem_shared>>
    %dma_start3A_26 = arith.constant 0 : i32
    %dma_start3A_27 = tpu.memref_slice %arg8[%add3A_15, %dma_start3A_26] : memref<10000x128xf32, #tpu.memory_space<vmem_shared>> -> memref<160x128xf32, #tpu.memory_space<vmem_shared>>
    tpu.enqueue_dma source(%arg6 : memref<160x128xf32, #tpu.memory_space<vmem>>) target(%dma_start3A_27 : memref<160x128xf32, #tpu.memory_space<vmem_shared>>) target_semaphore(%arg12 : memref<!tpu.dma_semaphore, #tpu.memory_space<semaphore_mem>>)
    %dma_start3A_28 = arith.constant 0 : i32
    %dma_start3A_29 = tpu.memref_slice %arg8[%add3A_17, %dma_start3A_28] : memref<10000x128xf32, #tpu.memory_space<vmem_shared>> -> memref<160x128xf32, #tpu.memory_space<vmem_shared>>
    %dma_start3A_30 = arith.constant 0 : i32
    %dma_start3A_31 = tpu.memref_slice %arg8[%add3A_17, %dma_start3A_30] : memref<10000x128xf32, #tpu.memory_space<vmem_shared>> -> memref<160x128xf32, #tpu.memory_space<vmem_shared>>
    tpu.enqueue_dma source(%arg6 : memref<160x128xf32, #tpu.memory_space<vmem>>) target(%dma_start3A_31 : memref<160x128xf32, #tpu.memory_space<vmem_shared>>) target_semaphore(%arg12 : memref<!tpu.dma_semaphore, #tpu.memory_space<semaphore_mem>>)
    %dma_start3A_32 = arith.constant 0 : i32
    %dma_start3A_33 = arith.constant 0 : i32
    %dma_start3A_34 = tpu.memref_slice %arg6[%dma_start3A_32, %dma_start3A_33] : memref<160x128xf32, #tpu.memory_space<vmem>> -> memref<144x128xf32, #tpu.memory_space<vmem>>
    %dma_start3A_35 = arith.constant 0 : i32
    %dma_start3A_36 = tpu.memref_slice %arg8[%add3A_19, %dma_start3A_35] : memref<10000x128xf32, #tpu.memory_space<vmem_shared>> -> memref<144x128xf32, #tpu.memory_space<vmem_shared>>
    %dma_start3A_37 = arith.constant 0 : i32
    %dma_start3A_38 = tpu.memref_slice %arg8[%add3A_19, %dma_start3A_37] : memref<10000x128xf32, #tpu.memory_space<vmem_shared>> -> memref<144x128xf32, #tpu.memory_space<vmem_shared>>
    %dma_start3A_39 = arith.constant 0 : i32
    %dma_start3A_40 = arith.constant 0 : i32
    %dma_start3A_41 = tpu.memref_slice %arg6[%dma_start3A_39, %dma_start3A_40] : memref<160x128xf32, #tpu.memory_space<vmem>> -> memref<144x128xf32, #tpu.memory_space<vmem>>
    tpu.enqueue_dma source(%dma_start3A_41 : memref<144x128xf32, #tpu.memory_space<vmem>>) target(%dma_start3A_38 : memref<144x128xf32, #tpu.memory_space<vmem_shared>>) target_semaphore(%arg12 : memref<!tpu.dma_semaphore, #tpu.memory_space<semaphore_mem>>)
    %eq3A = arith.constant 15 : i32
    %eq3A_42 = arith.cmpi eq, %arg1, %eq3A : i32
    %convert_element_type3A = arith.extui %eq3A_42 : i1 to i32
    %cond3A = arith.constant 0 : i32
    %cond3A_43 = arith.cmpi ne, %convert_element_type3A, %cond3A : i32
    scf.if %cond3A_43 {
      "tpu.region"() ({
        %run_scoped3A = tpu.sem_alloc : memref<!tpu.dma_semaphore, #tpu.memory_space<semaphore_mem>>
        %dma_start3A_259 = arith.constant 0 : i32
        %dma_start3A_260 = arith.constant 0 : i32
        %dma_start3A_261 = tpu.memref_slice %arg6[%dma_start3A_259, %dma_start3A_260] : memref<160x128xf32, #tpu.memory_space<vmem>> -> memref<16x128xf32, #tpu.memory_space<vmem>>
        %dma_start3A_262 = arith.constant 9984 : i32
        %dma_start3A_263 = arith.constant 0 : i32
        %dma_start3A_264 = tpu.memref_slice %arg8[%dma_start3A_262, %dma_start3A_263] : memref<10000x128xf32, #tpu.memory_space<vmem_shared>> -> memref<16x128xf32, #tpu.memory_space<vmem_shared>>
        %dma_start3A_265 = arith.constant 9984 : i32
        %dma_start3A_266 = arith.constant 0 : i32
        %dma_start3A_267 = tpu.memref_slice %arg8[%dma_start3A_265, %dma_start3A_266] : memref<10000x128xf32, #tpu.memory_space<vmem_shared>> -> memref<16x128xf32, #tpu.memory_space<vmem_shared>>
        %dma_start3A_268 = arith.constant 0 : i32
        %dma_start3A_269 = arith.constant 0 : i32
        %dma_start3A_270 = tpu.memref_slice %arg6[%dma_start3A_268, %dma_start3A_269] : memref<160x128xf32, #tpu.memory_space<vmem>> -> memref<16x128xf32, #tpu.memory_space<vmem>>
        tpu.enqueue_dma source(%dma_start3A_270 : memref<16x128xf32, #tpu.memory_space<vmem>>) target(%dma_start3A_267 : memref<16x128xf32, #tpu.memory_space<vmem_shared>>) target_semaphore(%run_scoped3A : memref<!tpu.dma_semaphore, #tpu.memory_space<semaphore_mem>>)
        %dma_wait3A_271 = arith.constant 0 : i32
        %dma_wait3A_272 = arith.constant 0 : i32
        %dma_wait3A_273 = tpu.memref_slice %arg6[%dma_wait3A_271, %dma_wait3A_272] : memref<160x128xf32, #tpu.memory_space<vmem>> -> memref<16x128xf32, #tpu.memory_space<vmem>>
        %dma_wait3A_274 = arith.constant 9984 : i32
        %dma_wait3A_275 = arith.constant 0 : i32
        %dma_wait3A_276 = tpu.memref_slice %arg8[%dma_wait3A_274, %dma_wait3A_275] : memref<10000x128xf32, #tpu.memory_space<vmem_shared>> -> memref<16x128xf32, #tpu.memory_space<vmem_shared>>
        %dma_wait3A_277 = arith.constant 9984 : i32
        %dma_wait3A_278 = arith.constant 0 : i32
        %dma_wait3A_279 = tpu.memref_slice %arg8[%dma_wait3A_277, %dma_wait3A_278] : memref<10000x128xf32, #tpu.memory_space<vmem_shared>> -> memref<16x128xf32, #tpu.memory_space<vmem_shared>>
        %dma_wait3A_280 = arith.constant 0 : i32
        %dma_wait3A_281 = arith.constant 0 : i32
        %dma_wait3A_282 = tpu.memref_slice %arg6[%dma_wait3A_280, %dma_wait3A_281] : memref<160x128xf32, #tpu.memory_space<vmem>> -> memref<16x128xf32, #tpu.memory_space<vmem>>
        tpu.wait_dma2 semaphore(%run_scoped3A : memref<!tpu.dma_semaphore, #tpu.memory_space<semaphore_mem>>) src(%dma_wait3A_282 : memref<16x128xf32, #tpu.memory_space<vmem>>) dst(%dma_wait3A_279 : memref<16x128xf32, #tpu.memory_space<vmem_shared>>)
        tpu.yield
      }) : () -> ()
    } else {
    }
    %mul3A_44 = arith.constant 125 : i32
    %mul3A_45 = arith.muli %add3A, %mul3A_44 : i32
    %add3A_46 = arith.constant 0 : i32
    %add3A_47 = arith.addi %mul3A_45, %add3A_46 : i32
    %rem3A = arith.constant 8 : i32
    %rem3A_48 = arith.remsi %add3A_47, %rem3A : i32
    %sub3A = arith.subi %add3A_47, %rem3A_48 : i32
    %min3A = arith.constant 3928 : i32
    %min3A_49 = arith.minsi %sub3A, %min3A : i32
    %multiple_of3A = tpu.assume_multiple %min3A_49, 8 : i32
    "tpu.region"() ({
      %run_scoped3A = tpu.sem_alloc : memref<!tpu.dma_semaphore, #tpu.memory_space<semaphore_mem>>
      %dma_start3A_259 = arith.constant 0 : i32
      %dma_start3A_260 = tpu.memref_slice %arg2[%multiple_of3A, %dma_start3A_259] : memref<4000x80xi32, #tpu.memory_space<hbm>> -> memref<72x80xi32, #tpu.memory_space<hbm>>
      %dma_start3A_261 = arith.constant 0 : i32
      %dma_start3A_262 = tpu.memref_slice %arg2[%multiple_of3A, %dma_start3A_261] : memref<4000x80xi32, #tpu.memory_space<hbm>> -> memref<72x80xi32, #tpu.memory_space<hbm>>
      tpu.enqueue_dma source(%dma_start3A_262 : memref<72x80xi32, #tpu.memory_space<hbm>>) target(%arg7 : memref<72x80xi32, #tpu.memory_space<vmem>>) target_semaphore(%run_scoped3A : memref<!tpu.dma_semaphore, #tpu.memory_space<semaphore_mem>>)
      %dma_wait3A_263 = arith.constant 0 : i32
      %dma_wait3A_264 = tpu.memref_slice %arg2[%multiple_of3A, %dma_wait3A_263] : memref<4000x80xi32, #tpu.memory_space<hbm>> -> memref<72x80xi32, #tpu.memory_space<hbm>>
      %dma_wait3A_265 = arith.constant 0 : i32
      %dma_wait3A_266 = tpu.memref_slice %arg2[%multiple_of3A, %dma_wait3A_265] : memref<4000x80xi32, #tpu.memory_space<hbm>> -> memref<72x80xi32, #tpu.memory_space<hbm>>
      tpu.wait_dma2 semaphore(%run_scoped3A : memref<!tpu.dma_semaphore, #tpu.memory_space<semaphore_mem>>) src(%dma_wait3A_266 : memref<72x80xi32, #tpu.memory_space<hbm>>) dst(%arg7 : memref<72x80xi32, #tpu.memory_space<vmem>>)
      tpu.yield
    }) : () -> ()
    %sub3A_50 = arith.subi %add3A_47, %multiple_of3A : i32
    %dma_wait3A = arith.constant 0 : i32
    %dma_wait3A_51 = tpu.memref_slice %arg8[%add3A_13, %dma_wait3A] : memref<10000x128xf32, #tpu.memory_space<vmem_shared>> -> memref<160x128xf32, #tpu.memory_space<vmem_shared>>
    %dma_wait3A_52 = arith.constant 0 : i32
    %dma_wait3A_53 = tpu.memref_slice %arg8[%add3A_13, %dma_wait3A_52] : memref<10000x128xf32, #tpu.memory_space<vmem_shared>> -> memref<160x128xf32, #tpu.memory_space<vmem_shared>>
    tpu.wait_dma2 semaphore(%arg12 : memref<!tpu.dma_semaphore, #tpu.memory_space<semaphore_mem>>) src(%arg6 : memref<160x128xf32, #tpu.memory_space<vmem>>) dst(%dma_wait3A_53 : memref<160x128xf32, #tpu.memory_space<vmem_shared>>)
    %dma_wait3A_54 = arith.constant 0 : i32
    %dma_wait3A_55 = tpu.memref_slice %arg8[%add3A_15, %dma_wait3A_54] : memref<10000x128xf32, #tpu.memory_space<vmem_shared>> -> memref<160x128xf32, #tpu.memory_space<vmem_shared>>
    %dma_wait3A_56 = arith.constant 0 : i32
    %dma_wait3A_57 = tpu.memref_slice %arg8[%add3A_15, %dma_wait3A_56] : memref<10000x128xf32, #tpu.memory_space<vmem_shared>> -> memref<160x128xf32, #tpu.memory_space<vmem_shared>>
    tpu.wait_dma2 semaphore(%arg12 : memref<!tpu.dma_semaphore, #tpu.memory_space<semaphore_mem>>) src(%arg6 : memref<160x128xf32, #tpu.memory_space<vmem>>) dst(%dma_wait3A_57 : memref<160x128xf32, #tpu.memory_space<vmem_shared>>)
    %dma_wait3A_58 = arith.constant 0 : i32
    %dma_wait3A_59 = tpu.memref_slice %arg8[%add3A_17, %dma_wait3A_58] : memref<10000x128xf32, #tpu.memory_space<vmem_shared>> -> memref<160x128xf32, #tpu.memory_space<vmem_shared>>
    %dma_wait3A_60 = arith.constant 0 : i32
    %dma_wait3A_61 = tpu.memref_slice %arg8[%add3A_17, %dma_wait3A_60] : memref<10000x128xf32, #tpu.memory_space<vmem_shared>> -> memref<160x128xf32, #tpu.memory_space<vmem_shared>>
    tpu.wait_dma2 semaphore(%arg12 : memref<!tpu.dma_semaphore, #tpu.memory_space<semaphore_mem>>) src(%arg6 : memref<160x128xf32, #tpu.memory_space<vmem>>) dst(%dma_wait3A_61 : memref<160x128xf32, #tpu.memory_space<vmem_shared>>)
    %dma_wait3A_62 = arith.constant 0 : i32
    %dma_wait3A_63 = arith.constant 0 : i32
    %dma_wait3A_64 = tpu.memref_slice %arg6[%dma_wait3A_62, %dma_wait3A_63] : memref<160x128xf32, #tpu.memory_space<vmem>> -> memref<144x128xf32, #tpu.memory_space<vmem>>
    %dma_wait3A_65 = arith.constant 0 : i32
    %dma_wait3A_66 = tpu.memref_slice %arg8[%add3A_19, %dma_wait3A_65] : memref<10000x128xf32, #tpu.memory_space<vmem_shared>> -> memref<144x128xf32, #tpu.memory_space<vmem_shared>>
    %dma_wait3A_67 = arith.constant 0 : i32
    %dma_wait3A_68 = tpu.memref_slice %arg8[%add3A_19, %dma_wait3A_67] : memref<10000x128xf32, #tpu.memory_space<vmem_shared>> -> memref<144x128xf32, #tpu.memory_space<vmem_shared>>
    %dma_wait3A_69 = arith.constant 0 : i32
    %dma_wait3A_70 = arith.constant 0 : i32
    %dma_wait3A_71 = tpu.memref_slice %arg6[%dma_wait3A_69, %dma_wait3A_70] : memref<160x128xf32, #tpu.memory_space<vmem>> -> memref<144x128xf32, #tpu.memory_space<vmem>>
    tpu.wait_dma2 semaphore(%arg12 : memref<!tpu.dma_semaphore, #tpu.memory_space<semaphore_mem>>) src(%dma_wait3A_71 : memref<144x128xf32, #tpu.memory_space<vmem>>) dst(%dma_wait3A_68 : memref<144x128xf32, #tpu.memory_space<vmem_shared>>)
    %add3A_72 = arith.constant 160 : i32
    %add3A_73 = arith.addi %mul3A_2, %add3A_72 : i32
    %dma_start3A_74 = arith.constant 0 : i32
    %dma_start3A_75 = tpu.memref_slice %arg3[%add3A_73, %dma_start3A_74] : memref<320000x128xf32, #tpu.memory_space<hbm>> -> memref<160x128xf32, #tpu.memory_space<hbm>>
    %dma_start3A_76 = arith.constant 0 : i32
    %dma_start3A_77 = tpu.memref_slice %arg3[%add3A_73, %dma_start3A_76] : memref<320000x128xf32, #tpu.memory_space<hbm>> -> memref<160x128xf32, #tpu.memory_space<hbm>>
    tpu.enqueue_dma source(%dma_start3A_77 : memref<160x128xf32, #tpu.memory_space<hbm>>) target(%arg6 : memref<160x128xf32, #tpu.memory_space<vmem>>) target_semaphore(%arg10 : memref<!tpu.dma_semaphore, #tpu.memory_space<semaphore_mem>>)
    %barrier3A = arith.constant 0 : index
    tpu.barrier barrier_id(%barrier3A)
    %add3A_78 = arith.constant 0 : i32
    %add3A_79 = arith.addi %mul3A_2, %add3A_78 : i32
    %scan3A_80 = arith.constant 0 : i32
    %scan3A_81 = arith.constant 15 : i32
    %scan3A_82 = arith.addi %scan3A_80, %scan3A_81 : i32
    %scan3A_83 = arith.constant 1 : i32
    scf.for %scan3A_259 = %scan3A_80 to %scan3A_82 step %scan3A_83  : i32 {
      %mul3A_260 = arith.constant 1 : i32
      %mul3A_261 = arith.muli %scan3A_259, %mul3A_260 : i32
      %add3A_262 = arith.constant 0 : i32
      %add3A_263 = arith.addi %add3A_262, %mul3A_261 : i32
      %mul3A_264 = arith.constant 2 : i32
      %mul3A_265 = arith.muli %mul3A_264, %add3A_263 : i32
      %mul3A_266 = arith.constant 160 : i32
      %mul3A_267 = arith.muli %mul3A_265, %mul3A_266 : i32
      %add3A_268 = arith.addi %add3A_79, %mul3A_267 : i32
      %dma_wait3A_269 = arith.constant 0 : i32
      %dma_wait3A_270 = tpu.memref_slice %arg3[%add3A_268, %dma_wait3A_269] : memref<320000x128xf32, #tpu.memory_space<hbm>> -> memref<160x128xf32, #tpu.memory_space<hbm>>
      %dma_wait3A_271 = arith.constant 0 : i32
      %dma_wait3A_272 = tpu.memref_slice %arg3[%add3A_268, %dma_wait3A_271] : memref<320000x128xf32, #tpu.memory_space<hbm>> -> memref<160x128xf32, #tpu.memory_space<hbm>>
      tpu.wait_dma2 semaphore(%arg9 : memref<!tpu.dma_semaphore, #tpu.memory_space<semaphore_mem>>) src(%dma_wait3A_272 : memref<160x128xf32, #tpu.memory_space<hbm>>) dst(%arg5 : memref<160x128xf32, #tpu.memory_space<vmem>>)
      %mul3A_273 = arith.constant 2 : i32
      %mul3A_274 = arith.muli %mul3A_273, %mul3A_265 : i32
      %add3A_275 = arith.addi %sub3A_50, %mul3A_274 : i32
      %dma_start3A_276 = arith.constant 0 : i32
      %dma_start3A_277 = arith.constant 0 : i32
      %dma_start3A_278 = tpu.memref_slice %arg5[%dma_start3A_276, %dma_start3A_277] : memref<160x128xf32, #tpu.memory_space<vmem>> -> memref<80x128xf32, #tpu.memory_space<vmem>>
      %dma_start3A_279 = arith.constant 0 : i32
      %dma_start3A_280 = tpu.memref_slice %arg7[%add3A_275, %dma_start3A_279] : memref<72x80xi32, #tpu.memory_space<vmem>> -> memref<1x80xi32, #tpu.memory_space<vmem>>
      %dma_start3A_281 = tpu.memref_squeeze %dma_start3A_280 : memref<1x80xi32, #tpu.memory_space<vmem>> -> memref<80xi32, #tpu.memory_space<vmem>>
      %dma_start3A_282 = arith.constant 0 : i32
      %dma_start3A_283 = arith.constant 0 : i32
      %dma_start3A_284 = tpu.memref_slice %arg8[%dma_start3A_282, %dma_start3A_283] : memref<10000x128xf32, #tpu.memory_space<vmem_shared>> -> memref<10000x128xf32, #tpu.memory_space<vmem_shared>>
      tpu.enqueue_indirect_dma source(%dma_start3A_278 : memref<80x128xf32, #tpu.memory_space<vmem>>) target(%dma_start3A_284 : memref<10000x128xf32, #tpu.memory_space<vmem_shared>>) offsets(%dma_start3A_281 : memref<80xi32, #tpu.memory_space<vmem>>) semaphore(%arg11 : memref<!tpu.dma_semaphore, #tpu.memory_space<semaphore_mem>>) {add = true}
      %add3A_285 = arith.constant 1 : i32
      %add3A_286 = arith.addi %add3A_275, %add3A_285 : i32
      %dma_start3A_287 = arith.constant 80 : i32
      %dma_start3A_288 = arith.constant 0 : i32
      %dma_start3A_289 = tpu.memref_slice %arg5[%dma_start3A_287, %dma_start3A_288] : memref<160x128xf32, #tpu.memory_space<vmem>> -> memref<80x128xf32, #tpu.memory_space<vmem>>
      %dma_start3A_290 = arith.constant 0 : i32
      %dma_start3A_291 = tpu.memref_slice %arg7[%add3A_286, %dma_start3A_290] : memref<72x80xi32, #tpu.memory_space<vmem>> -> memref<1x80xi32, #tpu.memory_space<vmem>>
      %dma_start3A_292 = tpu.memref_squeeze %dma_start3A_291 : memref<1x80xi32, #tpu.memory_space<vmem>> -> memref<80xi32, #tpu.memory_space<vmem>>
      %dma_start3A_293 = arith.constant 0 : i32
      %dma_start3A_294 = arith.constant 0 : i32
      %dma_start3A_295 = tpu.memref_slice %arg8[%dma_start3A_293, %dma_start3A_294] : memref<10000x128xf32, #tpu.memory_space<vmem_shared>> -> memref<10000x128xf32, #tpu.memory_space<vmem_shared>>
      tpu.enqueue_indirect_dma source(%dma_start3A_289 : memref<80x128xf32, #tpu.memory_space<vmem>>) target(%dma_start3A_295 : memref<10000x128xf32, #tpu.memory_space<vmem_shared>>) offsets(%dma_start3A_292 : memref<80xi32, #tpu.memory_space<vmem>>) semaphore(%arg11 : memref<!tpu.dma_semaphore, #tpu.memory_space<semaphore_mem>>) {add = true}
      %dma_wait3A_296 = arith.constant 0 : i32
      %dma_wait3A_297 = arith.constant 0 : i32
      %dma_wait3A_298 = tpu.memref_slice %arg5[%dma_wait3A_296, %dma_wait3A_297] : memref<160x128xf32, #tpu.memory_space<vmem>> -> memref<80x128xf32, #tpu.memory_space<vmem>>
      %dma_wait3A_299 = arith.constant 0 : i32
      %dma_wait3A_300 = tpu.memref_slice %arg7[%add3A_275, %dma_wait3A_299] : memref<72x80xi32, #tpu.memory_space<vmem>> -> memref<1x80xi32, #tpu.memory_space<vmem>>
      %dma_wait3A_301 = tpu.memref_squeeze %dma_wait3A_300 : memref<1x80xi32, #tpu.memory_space<vmem>> -> memref<80xi32, #tpu.memory_space<vmem>>
      %dma_wait3A_302 = arith.constant 0 : i32
      %dma_wait3A_303 = arith.constant 0 : i32
      %dma_wait3A_304 = tpu.memref_slice %arg8[%dma_wait3A_302, %dma_wait3A_303] : memref<10000x128xf32, #tpu.memory_space<vmem_shared>> -> memref<10000x128xf32, #tpu.memory_space<vmem_shared>>
      tpu.wait_indirect_dma semaphore(%arg11 : memref<!tpu.dma_semaphore, #tpu.memory_space<semaphore_mem>>) src(%dma_wait3A_298 : memref<80x128xf32, #tpu.memory_space<vmem>>) dst(%dma_wait3A_304 : memref<10000x128xf32, #tpu.memory_space<vmem_shared>>)
      %add3A_305 = arith.constant 1 : i32
      %add3A_306 = arith.addi %add3A_275, %add3A_305 : i32
      %dma_wait3A_307 = arith.constant 80 : i32
      %dma_wait3A_308 = arith.constant 0 : i32
      %dma_wait3A_309 = tpu.memref_slice %arg5[%dma_wait3A_307, %dma_wait3A_308] : memref<160x128xf32, #tpu.memory_space<vmem>> -> memref<80x128xf32, #tpu.memory_space<vmem>>
      %dma_wait3A_310 = arith.constant 0 : i32
      %dma_wait3A_311 = tpu.memref_slice %arg7[%add3A_306, %dma_wait3A_310] : memref<72x80xi32, #tpu.memory_space<vmem>> -> memref<1x80xi32, #tpu.memory_space<vmem>>
      %dma_wait3A_312 = tpu.memref_squeeze %dma_wait3A_311 : memref<1x80xi32, #tpu.memory_space<vmem>> -> memref<80xi32, #tpu.memory_space<vmem>>
      %dma_wait3A_313 = arith.constant 0 : i32
      %dma_wait3A_314 = arith.constant 0 : i32
      %dma_wait3A_315 = tpu.memref_slice %arg8[%dma_wait3A_313, %dma_wait3A_314] : memref<10000x128xf32, #tpu.memory_space<vmem_shared>> -> memref<10000x128xf32, #tpu.memory_space<vmem_shared>>
      tpu.wait_indirect_dma semaphore(%arg11 : memref<!tpu.dma_semaphore, #tpu.memory_space<semaphore_mem>>) src(%dma_wait3A_309 : memref<80x128xf32, #tpu.memory_space<vmem>>) dst(%dma_wait3A_315 : memref<10000x128xf32, #tpu.memory_space<vmem_shared>>)
      %add3A_316 = arith.constant 2 : i32
      %add3A_317 = arith.addi %mul3A_265, %add3A_316 : i32
      %mul3A_318 = arith.constant 160 : i32
      %mul3A_319 = arith.muli %add3A_317, %mul3A_318 : i32
      %add3A_320 = arith.addi %add3A_79, %mul3A_319 : i32
      %dma_start3A_321 = arith.constant 0 : i32
      %dma_start3A_322 = tpu.memref_slice %arg3[%add3A_320, %dma_start3A_321] : memref<320000x128xf32, #tpu.memory_space<hbm>> -> memref<160x128xf32, #tpu.memory_space<hbm>>
      %dma_start3A_323 = arith.constant 0 : i32
      %dma_start3A_324 = tpu.memref_slice %arg3[%add3A_320, %dma_start3A_323] : memref<320000x128xf32, #tpu.memory_space<hbm>> -> memref<160x128xf32, #tpu.memory_space<hbm>>
      tpu.enqueue_dma source(%dma_start3A_324 : memref<160x128xf32, #tpu.memory_space<hbm>>) target(%arg5 : memref<160x128xf32, #tpu.memory_space<vmem>>) target_semaphore(%arg9 : memref<!tpu.dma_semaphore, #tpu.memory_space<semaphore_mem>>)
      %add3A_325 = arith.constant 1 : i32
      %add3A_326 = arith.addi %mul3A_265, %add3A_325 : i32
      %mul3A_327 = arith.constant 160 : i32
      %mul3A_328 = arith.muli %add3A_326, %mul3A_327 : i32
      %add3A_329 = arith.addi %add3A_79, %mul3A_328 : i32
      %dma_wait3A_330 = arith.constant 0 : i32
      %dma_wait3A_331 = tpu.memref_slice %arg3[%add3A_329, %dma_wait3A_330] : memref<320000x128xf32, #tpu.memory_space<hbm>> -> memref<160x128xf32, #tpu.memory_space<hbm>>
      %dma_wait3A_332 = arith.constant 0 : i32
      %dma_wait3A_333 = tpu.memref_slice %arg3[%add3A_329, %dma_wait3A_332] : memref<320000x128xf32, #tpu.memory_space<hbm>> -> memref<160x128xf32, #tpu.memory_space<hbm>>
      tpu.wait_dma2 semaphore(%arg10 : memref<!tpu.dma_semaphore, #tpu.memory_space<semaphore_mem>>) src(%dma_wait3A_333 : memref<160x128xf32, #tpu.memory_space<hbm>>) dst(%arg6 : memref<160x128xf32, #tpu.memory_space<vmem>>)
      %add3A_334 = arith.constant 1 : i32
      %add3A_335 = arith.addi %mul3A_265, %add3A_334 : i32
      %mul3A_336 = arith.constant 2 : i32
      %mul3A_337 = arith.muli %mul3A_336, %add3A_335 : i32
      %add3A_338 = arith.addi %sub3A_50, %mul3A_337 : i32
      %dma_start3A_339 = arith.constant 0 : i32
      %dma_start3A_340 = arith.constant 0 : i32
      %dma_start3A_341 = tpu.memref_slice %arg6[%dma_start3A_339, %dma_start3A_340] : memref<160x128xf32, #tpu.memory_space<vmem>> -> memref<80x128xf32, #tpu.memory_space<vmem>>
      %dma_start3A_342 = arith.constant 0 : i32
      %dma_start3A_343 = tpu.memref_slice %arg7[%add3A_338, %dma_start3A_342] : memref<72x80xi32, #tpu.memory_space<vmem>> -> memref<1x80xi32, #tpu.memory_space<vmem>>
      %dma_start3A_344 = tpu.memref_squeeze %dma_start3A_343 : memref<1x80xi32, #tpu.memory_space<vmem>> -> memref<80xi32, #tpu.memory_space<vmem>>
      %dma_start3A_345 = arith.constant 0 : i32
      %dma_start3A_346 = arith.constant 0 : i32
      %dma_start3A_347 = tpu.memref_slice %arg8[%dma_start3A_345, %dma_start3A_346] : memref<10000x128xf32, #tpu.memory_space<vmem_shared>> -> memref<10000x128xf32, #tpu.memory_space<vmem_shared>>
      tpu.enqueue_indirect_dma source(%dma_start3A_341 : memref<80x128xf32, #tpu.memory_space<vmem>>) target(%dma_start3A_347 : memref<10000x128xf32, #tpu.memory_space<vmem_shared>>) offsets(%dma_start3A_344 : memref<80xi32, #tpu.memory_space<vmem>>) semaphore(%arg12 : memref<!tpu.dma_semaphore, #tpu.memory_space<semaphore_mem>>) {add = true}
      %add3A_348 = arith.constant 1 : i32
      %add3A_349 = arith.addi %add3A_338, %add3A_348 : i32
      %dma_start3A_350 = arith.constant 80 : i32
      %dma_start3A_351 = arith.constant 0 : i32
      %dma_start3A_352 = tpu.memref_slice %arg6[%dma_start3A_350, %dma_start3A_351] : memref<160x128xf32, #tpu.memory_space<vmem>> -> memref<80x128xf32, #tpu.memory_space<vmem>>
      %dma_start3A_353 = arith.constant 0 : i32
      %dma_start3A_354 = tpu.memref_slice %arg7[%add3A_349, %dma_start3A_353] : memref<72x80xi32, #tpu.memory_space<vmem>> -> memref<1x80xi32, #tpu.memory_space<vmem>>
      %dma_start3A_355 = tpu.memref_squeeze %dma_start3A_354 : memref<1x80xi32, #tpu.memory_space<vmem>> -> memref<80xi32, #tpu.memory_space<vmem>>
      %dma_start3A_356 = arith.constant 0 : i32
      %dma_start3A_357 = arith.constant 0 : i32
      %dma_start3A_358 = tpu.memref_slice %arg8[%dma_start3A_356, %dma_start3A_357] : memref<10000x128xf32, #tpu.memory_space<vmem_shared>> -> memref<10000x128xf32, #tpu.memory_space<vmem_shared>>
      tpu.enqueue_indirect_dma source(%dma_start3A_352 : memref<80x128xf32, #tpu.memory_space<vmem>>) target(%dma_start3A_358 : memref<10000x128xf32, #tpu.memory_space<vmem_shared>>) offsets(%dma_start3A_355 : memref<80xi32, #tpu.memory_space<vmem>>) semaphore(%arg12 : memref<!tpu.dma_semaphore, #tpu.memory_space<semaphore_mem>>) {add = true}
      %dma_wait3A_359 = arith.constant 0 : i32
      %dma_wait3A_360 = arith.constant 0 : i32
      %dma_wait3A_361 = tpu.memref_slice %arg6[%dma_wait3A_359, %dma_wait3A_360] : memref<160x128xf32, #tpu.memory_space<vmem>> -> memref<80x128xf32, #tpu.memory_space<vmem>>
      %dma_wait3A_362 = arith.constant 0 : i32
      %dma_wait3A_363 = tpu.memref_slice %arg7[%add3A_338, %dma_wait3A_362] : memref<72x80xi32, #tpu.memory_space<vmem>> -> memref<1x80xi32, #tpu.memory_space<vmem>>
      %dma_wait3A_364 = tpu.memref_squeeze %dma_wait3A_363 : memref<1x80xi32, #tpu.memory_space<vmem>> -> memref<80xi32, #tpu.memory_space<vmem>>
      %dma_wait3A_365 = arith.constant 0 : i32
      %dma_wait3A_366 = arith.constant 0 : i32
      %dma_wait3A_367 = tpu.memref_slice %arg8[%dma_wait3A_365, %dma_wait3A_366] : memref<10000x128xf32, #tpu.memory_space<vmem_shared>> -> memref<10000x128xf32, #tpu.memory_space<vmem_shared>>
      tpu.wait_indirect_dma semaphore(%arg12 : memref<!tpu.dma_semaphore, #tpu.memory_space<semaphore_mem>>) src(%dma_wait3A_361 : memref<80x128xf32, #tpu.memory_space<vmem>>) dst(%dma_wait3A_367 : memref<10000x128xf32, #tpu.memory_space<vmem_shared>>)
      %add3A_368 = arith.constant 1 : i32
      %add3A_369 = arith.addi %add3A_338, %add3A_368 : i32
      %dma_wait3A_370 = arith.constant 80 : i32
      %dma_wait3A_371 = arith.constant 0 : i32
      %dma_wait3A_372 = tpu.memref_slice %arg6[%dma_wait3A_370, %dma_wait3A_371] : memref<160x128xf32, #tpu.memory_space<vmem>> -> memref<80x128xf32, #tpu.memory_space<vmem>>
      %dma_wait3A_373 = arith.constant 0 : i32
      %dma_wait3A_374 = tpu.memref_slice %arg7[%add3A_369, %dma_wait3A_373] : memref<72x80xi32, #tpu.memory_space<vmem>> -> memref<1x80xi32, #tpu.memory_space<vmem>>
      %dma_wait3A_375 = tpu.memref_squeeze %dma_wait3A_374 : memref<1x80xi32, #tpu.memory_space<vmem>> -> memref<80xi32, #tpu.memory_space<vmem>>
      %dma_wait3A_376 = arith.constant 0 : i32
      %dma_wait3A_377 = arith.constant 0 : i32
      %dma_wait3A_378 = tpu.memref_slice %arg8[%dma_wait3A_376, %dma_wait3A_377] : memref<10000x128xf32, #tpu.memory_space<vmem_shared>> -> memref<10000x128xf32, #tpu.memory_space<vmem_shared>>
      tpu.wait_indirect_dma semaphore(%arg12 : memref<!tpu.dma_semaphore, #tpu.memory_space<semaphore_mem>>) src(%dma_wait3A_372 : memref<80x128xf32, #tpu.memory_space<vmem>>) dst(%dma_wait3A_378 : memref<10000x128xf32, #tpu.memory_space<vmem_shared>>)
      %add3A_379 = arith.constant 3 : i32
      %add3A_380 = arith.addi %mul3A_265, %add3A_379 : i32
      %lt3A = arith.constant 31 : i32
      %lt3A_381 = arith.cmpi slt, %add3A_380, %lt3A : i32
      %convert_element_type3A_382 = arith.extui %lt3A_381 : i1 to i32
      %cond3A_383 = arith.constant 0 : i32
      %cond3A_384 = arith.cmpi ne, %convert_element_type3A_382, %cond3A_383 : i32
      scf.if %cond3A_384 {
        %add3A_385 = arith.constant 3 : i32
        %add3A_386 = arith.addi %mul3A_265, %add3A_385 : i32
        %mul3A_387 = arith.constant 160 : i32
        %mul3A_388 = arith.muli %add3A_386, %mul3A_387 : i32
        %add3A_389 = arith.addi %add3A_79, %mul3A_388 : i32
        %dma_start3A_390 = arith.constant 0 : i32
        %dma_start3A_391 = tpu.memref_slice %arg3[%add3A_389, %dma_start3A_390] : memref<320000x128xf32, #tpu.memory_space<hbm>> -> memref<160x128xf32, #tpu.memory_space<hbm>>
        %dma_start3A_392 = arith.constant 0 : i32
        %dma_start3A_393 = tpu.memref_slice %arg3[%add3A_389, %dma_start3A_392] : memref<320000x128xf32, #tpu.memory_space<hbm>> -> memref<160x128xf32, #tpu.memory_space<hbm>>
        tpu.enqueue_dma source(%dma_start3A_393 : memref<160x128xf32, #tpu.memory_space<hbm>>) target(%arg6 : memref<160x128xf32, #tpu.memory_space<vmem>>) target_semaphore(%arg10 : memref<!tpu.dma_semaphore, #tpu.memory_space<semaphore_mem>>)
      } else {
      }
    }
    %scan3A_84 = arith.constant 15 : i32
    %add3A_85 = arith.constant 4800 : i32
    %add3A_86 = arith.addi %add3A_79, %add3A_85 : i32
    %dma_wait3A_87 = arith.constant 0 : i32
    %dma_wait3A_88 = tpu.memref_slice %arg3[%add3A_86, %dma_wait3A_87] : memref<320000x128xf32, #tpu.memory_space<hbm>> -> memref<160x128xf32, #tpu.memory_space<hbm>>
    %dma_wait3A_89 = arith.constant 0 : i32
    %dma_wait3A_90 = tpu.memref_slice %arg3[%add3A_86, %dma_wait3A_89] : memref<320000x128xf32, #tpu.memory_space<hbm>> -> memref<160x128xf32, #tpu.memory_space<hbm>>
    tpu.wait_dma2 semaphore(%arg9 : memref<!tpu.dma_semaphore, #tpu.memory_space<semaphore_mem>>) src(%dma_wait3A_90 : memref<160x128xf32, #tpu.memory_space<hbm>>) dst(%arg5 : memref<160x128xf32, #tpu.memory_space<vmem>>)
    %add3A_91 = arith.constant 60 : i32
    %add3A_92 = arith.addi %sub3A_50, %add3A_91 : i32
    %dma_start3A_93 = arith.constant 0 : i32
    %dma_start3A_94 = arith.constant 0 : i32
    %dma_start3A_95 = tpu.memref_slice %arg5[%dma_start3A_93, %dma_start3A_94] : memref<160x128xf32, #tpu.memory_space<vmem>> -> memref<80x128xf32, #tpu.memory_space<vmem>>
    %dma_start3A_96 = arith.constant 0 : i32
    %dma_start3A_97 = tpu.memref_slice %arg7[%add3A_92, %dma_start3A_96] : memref<72x80xi32, #tpu.memory_space<vmem>> -> memref<1x80xi32, #tpu.memory_space<vmem>>
    %dma_start3A_98 = tpu.memref_squeeze %dma_start3A_97 : memref<1x80xi32, #tpu.memory_space<vmem>> -> memref<80xi32, #tpu.memory_space<vmem>>
    %dma_start3A_99 = arith.constant 0 : i32
    %dma_start3A_100 = arith.constant 0 : i32
    %dma_start3A_101 = tpu.memref_slice %arg8[%dma_start3A_99, %dma_start3A_100] : memref<10000x128xf32, #tpu.memory_space<vmem_shared>> -> memref<10000x128xf32, #tpu.memory_space<vmem_shared>>
    tpu.enqueue_indirect_dma source(%dma_start3A_95 : memref<80x128xf32, #tpu.memory_space<vmem>>) target(%dma_start3A_101 : memref<10000x128xf32, #tpu.memory_space<vmem_shared>>) offsets(%dma_start3A_98 : memref<80xi32, #tpu.memory_space<vmem>>) semaphore(%arg11 : memref<!tpu.dma_semaphore, #tpu.memory_space<semaphore_mem>>) {add = true}
    %add3A_102 = arith.constant 1 : i32
    %add3A_103 = arith.addi %add3A_92, %add3A_102 : i32
    %dma_start3A_104 = arith.constant 80 : i32
    %dma_start3A_105 = arith.constant 0 : i32
    %dma_start3A_106 = tpu.memref_slice %arg5[%dma_start3A_104, %dma_start3A_105] : memref<160x128xf32, #tpu.memory_space<vmem>> -> memref<80x128xf32, #tpu.memory_space<vmem>>
    %dma_start3A_107 = arith.constant 0 : i32
    %dma_start3A_108 = tpu.memref_slice %arg7[%add3A_103, %dma_start3A_107] : memref<72x80xi32, #tpu.memory_space<vmem>> -> memref<1x80xi32, #tpu.memory_space<vmem>>
    %dma_start3A_109 = tpu.memref_squeeze %dma_start3A_108 : memref<1x80xi32, #tpu.memory_space<vmem>> -> memref<80xi32, #tpu.memory_space<vmem>>
    %dma_start3A_110 = arith.constant 0 : i32
    %dma_start3A_111 = arith.constant 0 : i32
    %dma_start3A_112 = tpu.memref_slice %arg8[%dma_start3A_110, %dma_start3A_111] : memref<10000x128xf32, #tpu.memory_space<vmem_shared>> -> memref<10000x128xf32, #tpu.memory_space<vmem_shared>>
    tpu.enqueue_indirect_dma source(%dma_start3A_106 : memref<80x128xf32, #tpu.memory_space<vmem>>) target(%dma_start3A_112 : memref<10000x128xf32, #tpu.memory_space<vmem_shared>>) offsets(%dma_start3A_109 : memref<80xi32, #tpu.memory_space<vmem>>) semaphore(%arg11 : memref<!tpu.dma_semaphore, #tpu.memory_space<semaphore_mem>>) {add = true}
    %dma_wait3A_113 = arith.constant 0 : i32
    %dma_wait3A_114 = arith.constant 0 : i32
    %dma_wait3A_115 = tpu.memref_slice %arg5[%dma_wait3A_113, %dma_wait3A_114] : memref<160x128xf32, #tpu.memory_space<vmem>> -> memref<80x128xf32, #tpu.memory_space<vmem>>
    %dma_wait3A_116 = arith.constant 0 : i32
    %dma_wait3A_117 = tpu.memref_slice %arg7[%add3A_92, %dma_wait3A_116] : memref<72x80xi32, #tpu.memory_space<vmem>> -> memref<1x80xi32, #tpu.memory_space<vmem>>
    %dma_wait3A_118 = tpu.memref_squeeze %dma_wait3A_117 : memref<1x80xi32, #tpu.memory_space<vmem>> -> memref<80xi32, #tpu.memory_space<vmem>>
    %dma_wait3A_119 = arith.constant 0 : i32
    %dma_wait3A_120 = arith.constant 0 : i32
    %dma_wait3A_121 = tpu.memref_slice %arg8[%dma_wait3A_119, %dma_wait3A_120] : memref<10000x128xf32, #tpu.memory_space<vmem_shared>> -> memref<10000x128xf32, #tpu.memory_space<vmem_shared>>
    tpu.wait_indirect_dma semaphore(%arg11 : memref<!tpu.dma_semaphore, #tpu.memory_space<semaphore_mem>>) src(%dma_wait3A_115 : memref<80x128xf32, #tpu.memory_space<vmem>>) dst(%dma_wait3A_121 : memref<10000x128xf32, #tpu.memory_space<vmem_shared>>)
    %add3A_122 = arith.constant 1 : i32
    %add3A_123 = arith.addi %add3A_92, %add3A_122 : i32
    %dma_wait3A_124 = arith.constant 80 : i32
    %dma_wait3A_125 = arith.constant 0 : i32
    %dma_wait3A_126 = tpu.memref_slice %arg5[%dma_wait3A_124, %dma_wait3A_125] : memref<160x128xf32, #tpu.memory_space<vmem>> -> memref<80x128xf32, #tpu.memory_space<vmem>>
    %dma_wait3A_127 = arith.constant 0 : i32
    %dma_wait3A_128 = tpu.memref_slice %arg7[%add3A_123, %dma_wait3A_127] : memref<72x80xi32, #tpu.memory_space<vmem>> -> memref<1x80xi32, #tpu.memory_space<vmem>>
    %dma_wait3A_129 = tpu.memref_squeeze %dma_wait3A_128 : memref<1x80xi32, #tpu.memory_space<vmem>> -> memref<80xi32, #tpu.memory_space<vmem>>
    %dma_wait3A_130 = arith.constant 0 : i32
    %dma_wait3A_131 = arith.constant 0 : i32
    %dma_wait3A_132 = tpu.memref_slice %arg8[%dma_wait3A_130, %dma_wait3A_131] : memref<10000x128xf32, #tpu.memory_space<vmem_shared>> -> memref<10000x128xf32, #tpu.memory_space<vmem_shared>>
    tpu.wait_indirect_dma semaphore(%arg11 : memref<!tpu.dma_semaphore, #tpu.memory_space<semaphore_mem>>) src(%dma_wait3A_126 : memref<80x128xf32, #tpu.memory_space<vmem>>) dst(%dma_wait3A_132 : memref<10000x128xf32, #tpu.memory_space<vmem_shared>>)
    %mul3A_133 = arith.constant 125 : i32
    %mul3A_134 = arith.muli %add3A, %mul3A_133 : i32
    %add3A_135 = arith.constant 62 : i32
    %add3A_136 = arith.addi %mul3A_134, %add3A_135 : i32
    %rem3A_137 = arith.constant 8 : i32
    %rem3A_138 = arith.remsi %add3A_136, %rem3A_137 : i32
    %sub3A_139 = arith.subi %add3A_136, %rem3A_138 : i32
    %min3A_140 = arith.constant 3928 : i32
    %min3A_141 = arith.minsi %sub3A_139, %min3A_140 : i32
    %multiple_of3A_142 = tpu.assume_multiple %min3A_141, 8 : i32
    "tpu.region"() ({
      %run_scoped3A = tpu.sem_alloc : memref<!tpu.dma_semaphore, #tpu.memory_space<semaphore_mem>>
      %dma_start3A_259 = arith.constant 0 : i32
      %dma_start3A_260 = tpu.memref_slice %arg2[%multiple_of3A_142, %dma_start3A_259] : memref<4000x80xi32, #tpu.memory_space<hbm>> -> memref<72x80xi32, #tpu.memory_space<hbm>>
      %dma_start3A_261 = arith.constant 0 : i32
      %dma_start3A_262 = tpu.memref_slice %arg2[%multiple_of3A_142, %dma_start3A_261] : memref<4000x80xi32, #tpu.memory_space<hbm>> -> memref<72x80xi32, #tpu.memory_space<hbm>>
      tpu.enqueue_dma source(%dma_start3A_262 : memref<72x80xi32, #tpu.memory_space<hbm>>) target(%arg7 : memref<72x80xi32, #tpu.memory_space<vmem>>) target_semaphore(%run_scoped3A : memref<!tpu.dma_semaphore, #tpu.memory_space<semaphore_mem>>)
      %dma_wait3A_263 = arith.constant 0 : i32
      %dma_wait3A_264 = tpu.memref_slice %arg2[%multiple_of3A_142, %dma_wait3A_263] : memref<4000x80xi32, #tpu.memory_space<hbm>> -> memref<72x80xi32, #tpu.memory_space<hbm>>
      %dma_wait3A_265 = arith.constant 0 : i32
      %dma_wait3A_266 = tpu.memref_slice %arg2[%multiple_of3A_142, %dma_wait3A_265] : memref<4000x80xi32, #tpu.memory_space<hbm>> -> memref<72x80xi32, #tpu.memory_space<hbm>>
      tpu.wait_dma2 semaphore(%run_scoped3A : memref<!tpu.dma_semaphore, #tpu.memory_space<semaphore_mem>>) src(%dma_wait3A_266 : memref<72x80xi32, #tpu.memory_space<hbm>>) dst(%arg7 : memref<72x80xi32, #tpu.memory_space<vmem>>)
      tpu.yield
    }) : () -> ()
    %sub3A_143 = arith.subi %add3A_136, %multiple_of3A_142 : i32
    %add3A_144 = arith.constant 4960 : i32
    %add3A_145 = arith.addi %mul3A_2, %add3A_144 : i32
    %dma_start3A_146 = arith.constant 0 : i32
    %dma_start3A_147 = tpu.memref_slice %arg3[%add3A_145, %dma_start3A_146] : memref<320000x128xf32, #tpu.memory_space<hbm>> -> memref<160x128xf32, #tpu.memory_space<hbm>>
    %dma_start3A_148 = arith.constant 0 : i32
    %dma_start3A_149 = tpu.memref_slice %arg3[%add3A_145, %dma_start3A_148] : memref<320000x128xf32, #tpu.memory_space<hbm>> -> memref<160x128xf32, #tpu.memory_space<hbm>>
    tpu.enqueue_dma source(%dma_start3A_149 : memref<160x128xf32, #tpu.memory_space<hbm>>) target(%arg5 : memref<160x128xf32, #tpu.memory_space<vmem>>) target_semaphore(%arg9 : memref<!tpu.dma_semaphore, #tpu.memory_space<semaphore_mem>>)
    %add3A_150 = arith.constant 160 : i32
    %add3A_151 = arith.addi %add3A_145, %add3A_150 : i32
    %dma_start3A_152 = arith.constant 0 : i32
    %dma_start3A_153 = tpu.memref_slice %arg3[%add3A_151, %dma_start3A_152] : memref<320000x128xf32, #tpu.memory_space<hbm>> -> memref<160x128xf32, #tpu.memory_space<hbm>>
    %dma_start3A_154 = arith.constant 0 : i32
    %dma_start3A_155 = tpu.memref_slice %arg3[%add3A_151, %dma_start3A_154] : memref<320000x128xf32, #tpu.memory_space<hbm>> -> memref<160x128xf32, #tpu.memory_space<hbm>>
    tpu.enqueue_dma source(%dma_start3A_155 : memref<160x128xf32, #tpu.memory_space<hbm>>) target(%arg6 : memref<160x128xf32, #tpu.memory_space<vmem>>) target_semaphore(%arg10 : memref<!tpu.dma_semaphore, #tpu.memory_space<semaphore_mem>>)
    %scan3A_156 = arith.constant 0 : i32
    %scan3A_157 = arith.constant 15 : i32
    %scan3A_158 = arith.addi %scan3A_156, %scan3A_157 : i32
    %scan3A_159 = arith.constant 1 : i32
    scf.for %scan3A_259 = %scan3A_156 to %scan3A_158 step %scan3A_159  : i32 {
      %mul3A_260 = arith.constant 1 : i32
      %mul3A_261 = arith.muli %scan3A_259, %mul3A_260 : i32
      %add3A_262 = arith.constant 0 : i32
      %add3A_263 = arith.addi %add3A_262, %mul3A_261 : i32
      %mul3A_264 = arith.constant 2 : i32
      %mul3A_265 = arith.muli %mul3A_264, %add3A_263 : i32
      %mul3A_266 = arith.constant 160 : i32
      %mul3A_267 = arith.muli %mul3A_265, %mul3A_266 : i32
      %add3A_268 = arith.addi %add3A_145, %mul3A_267 : i32
      %dma_wait3A_269 = arith.constant 0 : i32
      %dma_wait3A_270 = tpu.memref_slice %arg3[%add3A_268, %dma_wait3A_269] : memref<320000x128xf32, #tpu.memory_space<hbm>> -> memref<160x128xf32, #tpu.memory_space<hbm>>
      %dma_wait3A_271 = arith.constant 0 : i32
      %dma_wait3A_272 = tpu.memref_slice %arg3[%add3A_268, %dma_wait3A_271] : memref<320000x128xf32, #tpu.memory_space<hbm>> -> memref<160x128xf32, #tpu.memory_space<hbm>>
      tpu.wait_dma2 semaphore(%arg9 : memref<!tpu.dma_semaphore, #tpu.memory_space<semaphore_mem>>) src(%dma_wait3A_272 : memref<160x128xf32, #tpu.memory_space<hbm>>) dst(%arg5 : memref<160x128xf32, #tpu.memory_space<vmem>>)
      %mul3A_273 = arith.constant 2 : i32
      %mul3A_274 = arith.muli %mul3A_273, %mul3A_265 : i32
      %add3A_275 = arith.addi %sub3A_143, %mul3A_274 : i32
      %dma_start3A_276 = arith.constant 0 : i32
      %dma_start3A_277 = arith.constant 0 : i32
      %dma_start3A_278 = tpu.memref_slice %arg5[%dma_start3A_276, %dma_start3A_277] : memref<160x128xf32, #tpu.memory_space<vmem>> -> memref<80x128xf32, #tpu.memory_space<vmem>>
      %dma_start3A_279 = arith.constant 0 : i32
      %dma_start3A_280 = tpu.memref_slice %arg7[%add3A_275, %dma_start3A_279] : memref<72x80xi32, #tpu.memory_space<vmem>> -> memref<1x80xi32, #tpu.memory_space<vmem>>
      %dma_start3A_281 = tpu.memref_squeeze %dma_start3A_280 : memref<1x80xi32, #tpu.memory_space<vmem>> -> memref<80xi32, #tpu.memory_space<vmem>>
      %dma_start3A_282 = arith.constant 0 : i32
      %dma_start3A_283 = arith.constant 0 : i32
      %dma_start3A_284 = tpu.memref_slice %arg8[%dma_start3A_282, %dma_start3A_283] : memref<10000x128xf32, #tpu.memory_space<vmem_shared>> -> memref<10000x128xf32, #tpu.memory_space<vmem_shared>>
      tpu.enqueue_indirect_dma source(%dma_start3A_278 : memref<80x128xf32, #tpu.memory_space<vmem>>) target(%dma_start3A_284 : memref<10000x128xf32, #tpu.memory_space<vmem_shared>>) offsets(%dma_start3A_281 : memref<80xi32, #tpu.memory_space<vmem>>) semaphore(%arg11 : memref<!tpu.dma_semaphore, #tpu.memory_space<semaphore_mem>>) {add = true}
      %add3A_285 = arith.constant 1 : i32
      %add3A_286 = arith.addi %add3A_275, %add3A_285 : i32
      %dma_start3A_287 = arith.constant 80 : i32
      %dma_start3A_288 = arith.constant 0 : i32
      %dma_start3A_289 = tpu.memref_slice %arg5[%dma_start3A_287, %dma_start3A_288] : memref<160x128xf32, #tpu.memory_space<vmem>> -> memref<80x128xf32, #tpu.memory_space<vmem>>
      %dma_start3A_290 = arith.constant 0 : i32
      %dma_start3A_291 = tpu.memref_slice %arg7[%add3A_286, %dma_start3A_290] : memref<72x80xi32, #tpu.memory_space<vmem>> -> memref<1x80xi32, #tpu.memory_space<vmem>>
      %dma_start3A_292 = tpu.memref_squeeze %dma_start3A_291 : memref<1x80xi32, #tpu.memory_space<vmem>> -> memref<80xi32, #tpu.memory_space<vmem>>
      %dma_start3A_293 = arith.constant 0 : i32
      %dma_start3A_294 = arith.constant 0 : i32
      %dma_start3A_295 = tpu.memref_slice %arg8[%dma_start3A_293, %dma_start3A_294] : memref<10000x128xf32, #tpu.memory_space<vmem_shared>> -> memref<10000x128xf32, #tpu.memory_space<vmem_shared>>
      tpu.enqueue_indirect_dma source(%dma_start3A_289 : memref<80x128xf32, #tpu.memory_space<vmem>>) target(%dma_start3A_295 : memref<10000x128xf32, #tpu.memory_space<vmem_shared>>) offsets(%dma_start3A_292 : memref<80xi32, #tpu.memory_space<vmem>>) semaphore(%arg11 : memref<!tpu.dma_semaphore, #tpu.memory_space<semaphore_mem>>) {add = true}
      %dma_wait3A_296 = arith.constant 0 : i32
      %dma_wait3A_297 = arith.constant 0 : i32
      %dma_wait3A_298 = tpu.memref_slice %arg5[%dma_wait3A_296, %dma_wait3A_297] : memref<160x128xf32, #tpu.memory_space<vmem>> -> memref<80x128xf32, #tpu.memory_space<vmem>>
      %dma_wait3A_299 = arith.constant 0 : i32
      %dma_wait3A_300 = tpu.memref_slice %arg7[%add3A_275, %dma_wait3A_299] : memref<72x80xi32, #tpu.memory_space<vmem>> -> memref<1x80xi32, #tpu.memory_space<vmem>>
      %dma_wait3A_301 = tpu.memref_squeeze %dma_wait3A_300 : memref<1x80xi32, #tpu.memory_space<vmem>> -> memref<80xi32, #tpu.memory_space<vmem>>
      %dma_wait3A_302 = arith.constant 0 : i32
      %dma_wait3A_303 = arith.constant 0 : i32
      %dma_wait3A_304 = tpu.memref_slice %arg8[%dma_wait3A_302, %dma_wait3A_303] : memref<10000x128xf32, #tpu.memory_space<vmem_shared>> -> memref<10000x128xf32, #tpu.memory_space<vmem_shared>>
      tpu.wait_indirect_dma semaphore(%arg11 : memref<!tpu.dma_semaphore, #tpu.memory_space<semaphore_mem>>) src(%dma_wait3A_298 : memref<80x128xf32, #tpu.memory_space<vmem>>) dst(%dma_wait3A_304 : memref<10000x128xf32, #tpu.memory_space<vmem_shared>>)
      %add3A_305 = arith.constant 1 : i32
      %add3A_306 = arith.addi %add3A_275, %add3A_305 : i32
      %dma_wait3A_307 = arith.constant 80 : i32
      %dma_wait3A_308 = arith.constant 0 : i32
      %dma_wait3A_309 = tpu.memref_slice %arg5[%dma_wait3A_307, %dma_wait3A_308] : memref<160x128xf32, #tpu.memory_space<vmem>> -> memref<80x128xf32, #tpu.memory_space<vmem>>
      %dma_wait3A_310 = arith.constant 0 : i32
      %dma_wait3A_311 = tpu.memref_slice %arg7[%add3A_306, %dma_wait3A_310] : memref<72x80xi32, #tpu.memory_space<vmem>> -> memref<1x80xi32, #tpu.memory_space<vmem>>
      %dma_wait3A_312 = tpu.memref_squeeze %dma_wait3A_311 : memref<1x80xi32, #tpu.memory_space<vmem>> -> memref<80xi32, #tpu.memory_space<vmem>>
      %dma_wait3A_313 = arith.constant 0 : i32
      %dma_wait3A_314 = arith.constant 0 : i32
      %dma_wait3A_315 = tpu.memref_slice %arg8[%dma_wait3A_313, %dma_wait3A_314] : memref<10000x128xf32, #tpu.memory_space<vmem_shared>> -> memref<10000x128xf32, #tpu.memory_space<vmem_shared>>
      tpu.wait_indirect_dma semaphore(%arg11 : memref<!tpu.dma_semaphore, #tpu.memory_space<semaphore_mem>>) src(%dma_wait3A_309 : memref<80x128xf32, #tpu.memory_space<vmem>>) dst(%dma_wait3A_315 : memref<10000x128xf32, #tpu.memory_space<vmem_shared>>)
      %add3A_316 = arith.constant 2 : i32
      %add3A_317 = arith.addi %mul3A_265, %add3A_316 : i32
      %mul3A_318 = arith.constant 160 : i32
      %mul3A_319 = arith.muli %add3A_317, %mul3A_318 : i32
      %add3A_320 = arith.addi %add3A_145, %mul3A_319 : i32
      %dma_start3A_321 = arith.constant 0 : i32
      %dma_start3A_322 = tpu.memref_slice %arg3[%add3A_320, %dma_start3A_321] : memref<320000x128xf32, #tpu.memory_space<hbm>> -> memref<160x128xf32, #tpu.memory_space<hbm>>
      %dma_start3A_323 = arith.constant 0 : i32
      %dma_start3A_324 = tpu.memref_slice %arg3[%add3A_320, %dma_start3A_323] : memref<320000x128xf32, #tpu.memory_space<hbm>> -> memref<160x128xf32, #tpu.memory_space<hbm>>
      tpu.enqueue_dma source(%dma_start3A_324 : memref<160x128xf32, #tpu.memory_space<hbm>>) target(%arg5 : memref<160x128xf32, #tpu.memory_space<vmem>>) target_semaphore(%arg9 : memref<!tpu.dma_semaphore, #tpu.memory_space<semaphore_mem>>)
      %add3A_325 = arith.constant 1 : i32
      %add3A_326 = arith.addi %mul3A_265, %add3A_325 : i32
      %mul3A_327 = arith.constant 160 : i32
      %mul3A_328 = arith.muli %add3A_326, %mul3A_327 : i32
      %add3A_329 = arith.addi %add3A_145, %mul3A_328 : i32
      %dma_wait3A_330 = arith.constant 0 : i32
      %dma_wait3A_331 = tpu.memref_slice %arg3[%add3A_329, %dma_wait3A_330] : memref<320000x128xf32, #tpu.memory_space<hbm>> -> memref<160x128xf32, #tpu.memory_space<hbm>>
      %dma_wait3A_332 = arith.constant 0 : i32
      %dma_wait3A_333 = tpu.memref_slice %arg3[%add3A_329, %dma_wait3A_332] : memref<320000x128xf32, #tpu.memory_space<hbm>> -> memref<160x128xf32, #tpu.memory_space<hbm>>
      tpu.wait_dma2 semaphore(%arg10 : memref<!tpu.dma_semaphore, #tpu.memory_space<semaphore_mem>>) src(%dma_wait3A_333 : memref<160x128xf32, #tpu.memory_space<hbm>>) dst(%arg6 : memref<160x128xf32, #tpu.memory_space<vmem>>)
      %add3A_334 = arith.constant 1 : i32
      %add3A_335 = arith.addi %mul3A_265, %add3A_334 : i32
      %mul3A_336 = arith.constant 2 : i32
      %mul3A_337 = arith.muli %mul3A_336, %add3A_335 : i32
      %add3A_338 = arith.addi %sub3A_143, %mul3A_337 : i32
      %dma_start3A_339 = arith.constant 0 : i32
      %dma_start3A_340 = arith.constant 0 : i32
      %dma_start3A_341 = tpu.memref_slice %arg6[%dma_start3A_339, %dma_start3A_340] : memref<160x128xf32, #tpu.memory_space<vmem>> -> memref<80x128xf32, #tpu.memory_space<vmem>>
      %dma_start3A_342 = arith.constant 0 : i32
      %dma_start3A_343 = tpu.memref_slice %arg7[%add3A_338, %dma_start3A_342] : memref<72x80xi32, #tpu.memory_space<vmem>> -> memref<1x80xi32, #tpu.memory_space<vmem>>
      %dma_start3A_344 = tpu.memref_squeeze %dma_start3A_343 : memref<1x80xi32, #tpu.memory_space<vmem>> -> memref<80xi32, #tpu.memory_space<vmem>>
      %dma_start3A_345 = arith.constant 0 : i32
      %dma_start3A_346 = arith.constant 0 : i32
      %dma_start3A_347 = tpu.memref_slice %arg8[%dma_start3A_345, %dma_start3A_346] : memref<10000x128xf32, #tpu.memory_space<vmem_shared>> -> memref<10000x128xf32, #tpu.memory_space<vmem_shared>>
      tpu.enqueue_indirect_dma source(%dma_start3A_341 : memref<80x128xf32, #tpu.memory_space<vmem>>) target(%dma_start3A_347 : memref<10000x128xf32, #tpu.memory_space<vmem_shared>>) offsets(%dma_start3A_344 : memref<80xi32, #tpu.memory_space<vmem>>) semaphore(%arg12 : memref<!tpu.dma_semaphore, #tpu.memory_space<semaphore_mem>>) {add = true}
      %add3A_348 = arith.constant 1 : i32
      %add3A_349 = arith.addi %add3A_338, %add3A_348 : i32
      %dma_start3A_350 = arith.constant 80 : i32
      %dma_start3A_351 = arith.constant 0 : i32
      %dma_start3A_352 = tpu.memref_slice %arg6[%dma_start3A_350, %dma_start3A_351] : memref<160x128xf32, #tpu.memory_space<vmem>> -> memref<80x128xf32, #tpu.memory_space<vmem>>
      %dma_start3A_353 = arith.constant 0 : i32
      %dma_start3A_354 = tpu.memref_slice %arg7[%add3A_349, %dma_start3A_353] : memref<72x80xi32, #tpu.memory_space<vmem>> -> memref<1x80xi32, #tpu.memory_space<vmem>>
      %dma_start3A_355 = tpu.memref_squeeze %dma_start3A_354 : memref<1x80xi32, #tpu.memory_space<vmem>> -> memref<80xi32, #tpu.memory_space<vmem>>
      %dma_start3A_356 = arith.constant 0 : i32
      %dma_start3A_357 = arith.constant 0 : i32
      %dma_start3A_358 = tpu.memref_slice %arg8[%dma_start3A_356, %dma_start3A_357] : memref<10000x128xf32, #tpu.memory_space<vmem_shared>> -> memref<10000x128xf32, #tpu.memory_space<vmem_shared>>
      tpu.enqueue_indirect_dma source(%dma_start3A_352 : memref<80x128xf32, #tpu.memory_space<vmem>>) target(%dma_start3A_358 : memref<10000x128xf32, #tpu.memory_space<vmem_shared>>) offsets(%dma_start3A_355 : memref<80xi32, #tpu.memory_space<vmem>>) semaphore(%arg12 : memref<!tpu.dma_semaphore, #tpu.memory_space<semaphore_mem>>) {add = true}
      %dma_wait3A_359 = arith.constant 0 : i32
      %dma_wait3A_360 = arith.constant 0 : i32
      %dma_wait3A_361 = tpu.memref_slice %arg6[%dma_wait3A_359, %dma_wait3A_360] : memref<160x128xf32, #tpu.memory_space<vmem>> -> memref<80x128xf32, #tpu.memory_space<vmem>>
      %dma_wait3A_362 = arith.constant 0 : i32
      %dma_wait3A_363 = tpu.memref_slice %arg7[%add3A_338, %dma_wait3A_362] : memref<72x80xi32, #tpu.memory_space<vmem>> -> memref<1x80xi32, #tpu.memory_space<vmem>>
      %dma_wait3A_364 = tpu.memref_squeeze %dma_wait3A_363 : memref<1x80xi32, #tpu.memory_space<vmem>> -> memref<80xi32, #tpu.memory_space<vmem>>
      %dma_wait3A_365 = arith.constant 0 : i32
      %dma_wait3A_366 = arith.constant 0 : i32
      %dma_wait3A_367 = tpu.memref_slice %arg8[%dma_wait3A_365, %dma_wait3A_366] : memref<10000x128xf32, #tpu.memory_space<vmem_shared>> -> memref<10000x128xf32, #tpu.memory_space<vmem_shared>>
      tpu.wait_indirect_dma semaphore(%arg12 : memref<!tpu.dma_semaphore, #tpu.memory_space<semaphore_mem>>) src(%dma_wait3A_361 : memref<80x128xf32, #tpu.memory_space<vmem>>) dst(%dma_wait3A_367 : memref<10000x128xf32, #tpu.memory_space<vmem_shared>>)
      %add3A_368 = arith.constant 1 : i32
      %add3A_369 = arith.addi %add3A_338, %add3A_368 : i32
      %dma_wait3A_370 = arith.constant 80 : i32
      %dma_wait3A_371 = arith.constant 0 : i32
      %dma_wait3A_372 = tpu.memref_slice %arg6[%dma_wait3A_370, %dma_wait3A_371] : memref<160x128xf32, #tpu.memory_space<vmem>> -> memref<80x128xf32, #tpu.memory_space<vmem>>
      %dma_wait3A_373 = arith.constant 0 : i32
      %dma_wait3A_374 = tpu.memref_slice %arg7[%add3A_369, %dma_wait3A_373] : memref<72x80xi32, #tpu.memory_space<vmem>> -> memref<1x80xi32, #tpu.memory_space<vmem>>
      %dma_wait3A_375 = tpu.memref_squeeze %dma_wait3A_374 : memref<1x80xi32, #tpu.memory_space<vmem>> -> memref<80xi32, #tpu.memory_space<vmem>>
      %dma_wait3A_376 = arith.constant 0 : i32
      %dma_wait3A_377 = arith.constant 0 : i32
      %dma_wait3A_378 = tpu.memref_slice %arg8[%dma_wait3A_376, %dma_wait3A_377] : memref<10000x128xf32, #tpu.memory_space<vmem_shared>> -> memref<10000x128xf32, #tpu.memory_space<vmem_shared>>
      tpu.wait_indirect_dma semaphore(%arg12 : memref<!tpu.dma_semaphore, #tpu.memory_space<semaphore_mem>>) src(%dma_wait3A_372 : memref<80x128xf32, #tpu.memory_space<vmem>>) dst(%dma_wait3A_378 : memref<10000x128xf32, #tpu.memory_space<vmem_shared>>)
      %add3A_379 = arith.constant 3 : i32
      %add3A_380 = arith.addi %mul3A_265, %add3A_379 : i32
      %lt3A = arith.constant 31 : i32
      %lt3A_381 = arith.cmpi slt, %add3A_380, %lt3A : i32
      %convert_element_type3A_382 = arith.extui %lt3A_381 : i1 to i32
      %cond3A_383 = arith.constant 0 : i32
      %cond3A_384 = arith.cmpi ne, %convert_element_type3A_382, %cond3A_383 : i32
      scf.if %cond3A_384 {
        %add3A_385 = arith.constant 3 : i32
        %add3A_386 = arith.addi %mul3A_265, %add3A_385 : i32
        %mul3A_387 = arith.constant 160 : i32
        %mul3A_388 = arith.muli %add3A_386, %mul3A_387 : i32
        %add3A_389 = arith.addi %add3A_145, %mul3A_388 : i32
        %dma_start3A_390 = arith.constant 0 : i32
        %dma_start3A_391 = tpu.memref_slice %arg3[%add3A_389, %dma_start3A_390] : memref<320000x128xf32, #tpu.memory_space<hbm>> -> memref<160x128xf32, #tpu.memory_space<hbm>>
        %dma_start3A_392 = arith.constant 0 : i32
        %dma_start3A_393 = tpu.memref_slice %arg3[%add3A_389, %dma_start3A_392] : memref<320000x128xf32, #tpu.memory_space<hbm>> -> memref<160x128xf32, #tpu.memory_space<hbm>>
        tpu.enqueue_dma source(%dma_start3A_393 : memref<160x128xf32, #tpu.memory_space<hbm>>) target(%arg6 : memref<160x128xf32, #tpu.memory_space<vmem>>) target_semaphore(%arg10 : memref<!tpu.dma_semaphore, #tpu.memory_space<semaphore_mem>>)
      } else {
      }
    }
    %scan3A_160 = arith.constant 15 : i32
    %add3A_161 = arith.constant 4800 : i32
    %add3A_162 = arith.addi %add3A_145, %add3A_161 : i32
    %dma_wait3A_163 = arith.constant 0 : i32
    %dma_wait3A_164 = tpu.memref_slice %arg3[%add3A_162, %dma_wait3A_163] : memref<320000x128xf32, #tpu.memory_space<hbm>> -> memref<160x128xf32, #tpu.memory_space<hbm>>
    %dma_wait3A_165 = arith.constant 0 : i32
    %dma_wait3A_166 = tpu.memref_slice %arg3[%add3A_162, %dma_wait3A_165] : memref<320000x128xf32, #tpu.memory_space<hbm>> -> memref<160x128xf32, #tpu.memory_space<hbm>>
    tpu.wait_dma2 semaphore(%arg9 : memref<!tpu.dma_semaphore, #tpu.memory_space<semaphore_mem>>) src(%dma_wait3A_166 : memref<160x128xf32, #tpu.memory_space<hbm>>) dst(%arg5 : memref<160x128xf32, #tpu.memory_space<vmem>>)
    %add3A_167 = arith.constant 60 : i32
    %add3A_168 = arith.addi %sub3A_143, %add3A_167 : i32
    %dma_start3A_169 = arith.constant 0 : i32
    %dma_start3A_170 = arith.constant 0 : i32
    %dma_start3A_171 = tpu.memref_slice %arg5[%dma_start3A_169, %dma_start3A_170] : memref<160x128xf32, #tpu.memory_space<vmem>> -> memref<80x128xf32, #tpu.memory_space<vmem>>
    %dma_start3A_172 = arith.constant 0 : i32
    %dma_start3A_173 = tpu.memref_slice %arg7[%add3A_168, %dma_start3A_172] : memref<72x80xi32, #tpu.memory_space<vmem>> -> memref<1x80xi32, #tpu.memory_space<vmem>>
    %dma_start3A_174 = tpu.memref_squeeze %dma_start3A_173 : memref<1x80xi32, #tpu.memory_space<vmem>> -> memref<80xi32, #tpu.memory_space<vmem>>
    %dma_start3A_175 = arith.constant 0 : i32
    %dma_start3A_176 = arith.constant 0 : i32
    %dma_start3A_177 = tpu.memref_slice %arg8[%dma_start3A_175, %dma_start3A_176] : memref<10000x128xf32, #tpu.memory_space<vmem_shared>> -> memref<10000x128xf32, #tpu.memory_space<vmem_shared>>
    tpu.enqueue_indirect_dma source(%dma_start3A_171 : memref<80x128xf32, #tpu.memory_space<vmem>>) target(%dma_start3A_177 : memref<10000x128xf32, #tpu.memory_space<vmem_shared>>) offsets(%dma_start3A_174 : memref<80xi32, #tpu.memory_space<vmem>>) semaphore(%arg11 : memref<!tpu.dma_semaphore, #tpu.memory_space<semaphore_mem>>) {add = true}
    %add3A_178 = arith.constant 1 : i32
    %add3A_179 = arith.addi %add3A_168, %add3A_178 : i32
    %dma_start3A_180 = arith.constant 80 : i32
    %dma_start3A_181 = arith.constant 0 : i32
    %dma_start3A_182 = tpu.memref_slice %arg5[%dma_start3A_180, %dma_start3A_181] : memref<160x128xf32, #tpu.memory_space<vmem>> -> memref<80x128xf32, #tpu.memory_space<vmem>>
    %dma_start3A_183 = arith.constant 0 : i32
    %dma_start3A_184 = tpu.memref_slice %arg7[%add3A_179, %dma_start3A_183] : memref<72x80xi32, #tpu.memory_space<vmem>> -> memref<1x80xi32, #tpu.memory_space<vmem>>
    %dma_start3A_185 = tpu.memref_squeeze %dma_start3A_184 : memref<1x80xi32, #tpu.memory_space<vmem>> -> memref<80xi32, #tpu.memory_space<vmem>>
    %dma_start3A_186 = arith.constant 0 : i32
    %dma_start3A_187 = arith.constant 0 : i32
    %dma_start3A_188 = tpu.memref_slice %arg8[%dma_start3A_186, %dma_start3A_187] : memref<10000x128xf32, #tpu.memory_space<vmem_shared>> -> memref<10000x128xf32, #tpu.memory_space<vmem_shared>>
    tpu.enqueue_indirect_dma source(%dma_start3A_182 : memref<80x128xf32, #tpu.memory_space<vmem>>) target(%dma_start3A_188 : memref<10000x128xf32, #tpu.memory_space<vmem_shared>>) offsets(%dma_start3A_185 : memref<80xi32, #tpu.memory_space<vmem>>) semaphore(%arg11 : memref<!tpu.dma_semaphore, #tpu.memory_space<semaphore_mem>>) {add = true}
    %dma_wait3A_189 = arith.constant 0 : i32
    %dma_wait3A_190 = arith.constant 0 : i32
    %dma_wait3A_191 = tpu.memref_slice %arg5[%dma_wait3A_189, %dma_wait3A_190] : memref<160x128xf32, #tpu.memory_space<vmem>> -> memref<80x128xf32, #tpu.memory_space<vmem>>
    %dma_wait3A_192 = arith.constant 0 : i32
    %dma_wait3A_193 = tpu.memref_slice %arg7[%add3A_168, %dma_wait3A_192] : memref<72x80xi32, #tpu.memory_space<vmem>> -> memref<1x80xi32, #tpu.memory_space<vmem>>
    %dma_wait3A_194 = tpu.memref_squeeze %dma_wait3A_193 : memref<1x80xi32, #tpu.memory_space<vmem>> -> memref<80xi32, #tpu.memory_space<vmem>>
    %dma_wait3A_195 = arith.constant 0 : i32
    %dma_wait3A_196 = arith.constant 0 : i32
    %dma_wait3A_197 = tpu.memref_slice %arg8[%dma_wait3A_195, %dma_wait3A_196] : memref<10000x128xf32, #tpu.memory_space<vmem_shared>> -> memref<10000x128xf32, #tpu.memory_space<vmem_shared>>
    tpu.wait_indirect_dma semaphore(%arg11 : memref<!tpu.dma_semaphore, #tpu.memory_space<semaphore_mem>>) src(%dma_wait3A_191 : memref<80x128xf32, #tpu.memory_space<vmem>>) dst(%dma_wait3A_197 : memref<10000x128xf32, #tpu.memory_space<vmem_shared>>)
    %add3A_198 = arith.constant 1 : i32
    %add3A_199 = arith.addi %add3A_168, %add3A_198 : i32
    %dma_wait3A_200 = arith.constant 80 : i32
    %dma_wait3A_201 = arith.constant 0 : i32
    %dma_wait3A_202 = tpu.memref_slice %arg5[%dma_wait3A_200, %dma_wait3A_201] : memref<160x128xf32, #tpu.memory_space<vmem>> -> memref<80x128xf32, #tpu.memory_space<vmem>>
    %dma_wait3A_203 = arith.constant 0 : i32
    %dma_wait3A_204 = tpu.memref_slice %arg7[%add3A_199, %dma_wait3A_203] : memref<72x80xi32, #tpu.memory_space<vmem>> -> memref<1x80xi32, #tpu.memory_space<vmem>>
    %dma_wait3A_205 = tpu.memref_squeeze %dma_wait3A_204 : memref<1x80xi32, #tpu.memory_space<vmem>> -> memref<80xi32, #tpu.memory_space<vmem>>
    %dma_wait3A_206 = arith.constant 0 : i32
    %dma_wait3A_207 = arith.constant 0 : i32
    %dma_wait3A_208 = tpu.memref_slice %arg8[%dma_wait3A_206, %dma_wait3A_207] : memref<10000x128xf32, #tpu.memory_space<vmem_shared>> -> memref<10000x128xf32, #tpu.memory_space<vmem_shared>>
    tpu.wait_indirect_dma semaphore(%arg11 : memref<!tpu.dma_semaphore, #tpu.memory_space<semaphore_mem>>) src(%dma_wait3A_202 : memref<80x128xf32, #tpu.memory_space<vmem>>) dst(%dma_wait3A_208 : memref<10000x128xf32, #tpu.memory_space<vmem_shared>>)
    %add3A_209 = arith.constant 9920 : i32
    %add3A_210 = arith.addi %mul3A_2, %add3A_209 : i32
    %dma_start3A_211 = arith.constant 0 : i32
    %dma_start3A_212 = arith.constant 0 : i32
    %dma_start3A_213 = tpu.memref_slice %arg6[%dma_start3A_211, %dma_start3A_212] : memref<160x128xf32, #tpu.memory_space<vmem>> -> memref<80x128xf32, #tpu.memory_space<vmem>>
    %dma_start3A_214 = arith.constant 0 : i32
    %dma_start3A_215 = tpu.memref_slice %arg3[%add3A_210, %dma_start3A_214] : memref<320000x128xf32, #tpu.memory_space<hbm>> -> memref<80x128xf32, #tpu.memory_space<hbm>>
    %dma_start3A_216 = arith.constant 0 : i32
    %dma_start3A_217 = arith.constant 0 : i32
    %dma_start3A_218 = tpu.memref_slice %arg6[%dma_start3A_216, %dma_start3A_217] : memref<160x128xf32, #tpu.memory_space<vmem>> -> memref<80x128xf32, #tpu.memory_space<vmem>>
    %dma_start3A_219 = arith.constant 0 : i32
    %dma_start3A_220 = tpu.memref_slice %arg3[%add3A_210, %dma_start3A_219] : memref<320000x128xf32, #tpu.memory_space<hbm>> -> memref<80x128xf32, #tpu.memory_space<hbm>>
    tpu.enqueue_dma source(%dma_start3A_220 : memref<80x128xf32, #tpu.memory_space<hbm>>) target(%dma_start3A_218 : memref<80x128xf32, #tpu.memory_space<vmem>>) target_semaphore(%arg10 : memref<!tpu.dma_semaphore, #tpu.memory_space<semaphore_mem>>)
    %dma_wait3A_221 = arith.constant 0 : i32
    %dma_wait3A_222 = arith.constant 0 : i32
    %dma_wait3A_223 = tpu.memref_slice %arg6[%dma_wait3A_221, %dma_wait3A_222] : memref<160x128xf32, #tpu.memory_space<vmem>> -> memref<80x128xf32, #tpu.memory_space<vmem>>
    %dma_wait3A_224 = arith.constant 0 : i32
    %dma_wait3A_225 = tpu.memref_slice %arg3[%add3A_210, %dma_wait3A_224] : memref<320000x128xf32, #tpu.memory_space<hbm>> -> memref<80x128xf32, #tpu.memory_space<hbm>>
    %dma_wait3A_226 = arith.constant 0 : i32
    %dma_wait3A_227 = arith.constant 0 : i32
    %dma_wait3A_228 = tpu.memref_slice %arg6[%dma_wait3A_226, %dma_wait3A_227] : memref<160x128xf32, #tpu.memory_space<vmem>> -> memref<80x128xf32, #tpu.memory_space<vmem>>
    %dma_wait3A_229 = arith.constant 0 : i32
    %dma_wait3A_230 = tpu.memref_slice %arg3[%add3A_210, %dma_wait3A_229] : memref<320000x128xf32, #tpu.memory_space<hbm>> -> memref<80x128xf32, #tpu.memory_space<hbm>>
    tpu.wait_dma2 semaphore(%arg10 : memref<!tpu.dma_semaphore, #tpu.memory_space<semaphore_mem>>) src(%dma_wait3A_230 : memref<80x128xf32, #tpu.memory_space<hbm>>) dst(%dma_wait3A_228 : memref<80x128xf32, #tpu.memory_space<vmem>>)
    %add3A_231 = arith.constant 62 : i32
    %add3A_232 = arith.addi %sub3A_143, %add3A_231 : i32
    %dma_start3A_233 = arith.constant 0 : i32
    %dma_start3A_234 = arith.constant 0 : i32
    %dma_start3A_235 = tpu.memref_slice %arg6[%dma_start3A_233, %dma_start3A_234] : memref<160x128xf32, #tpu.memory_space<vmem>> -> memref<80x128xf32, #tpu.memory_space<vmem>>
    %dma_start3A_236 = arith.constant 0 : i32
    %dma_start3A_237 = tpu.memref_slice %arg7[%add3A_232, %dma_start3A_236] : memref<72x80xi32, #tpu.memory_space<vmem>> -> memref<1x80xi32, #tpu.memory_space<vmem>>
    %dma_start3A_238 = tpu.memref_squeeze %dma_start3A_237 : memref<1x80xi32, #tpu.memory_space<vmem>> -> memref<80xi32, #tpu.memory_space<vmem>>
    %dma_start3A_239 = arith.constant 0 : i32
    %dma_start3A_240 = arith.constant 0 : i32
    %dma_start3A_241 = tpu.memref_slice %arg8[%dma_start3A_239, %dma_start3A_240] : memref<10000x128xf32, #tpu.memory_space<vmem_shared>> -> memref<10000x128xf32, #tpu.memory_space<vmem_shared>>
    tpu.enqueue_indirect_dma source(%dma_start3A_235 : memref<80x128xf32, #tpu.memory_space<vmem>>) target(%dma_start3A_241 : memref<10000x128xf32, #tpu.memory_space<vmem_shared>>) offsets(%dma_start3A_238 : memref<80xi32, #tpu.memory_space<vmem>>) semaphore(%arg12 : memref<!tpu.dma_semaphore, #tpu.memory_space<semaphore_mem>>) {add = true}
    %add3A_242 = arith.constant 62 : i32
    %add3A_243 = arith.addi %sub3A_143, %add3A_242 : i32
    %dma_wait3A_244 = arith.constant 0 : i32
    %dma_wait3A_245 = arith.constant 0 : i32
    %dma_wait3A_246 = tpu.memref_slice %arg6[%dma_wait3A_244, %dma_wait3A_245] : memref<160x128xf32, #tpu.memory_space<vmem>> -> memref<80x128xf32, #tpu.memory_space<vmem>>
    %dma_wait3A_247 = arith.constant 0 : i32
    %dma_wait3A_248 = tpu.memref_slice %arg7[%add3A_243, %dma_wait3A_247] : memref<72x80xi32, #tpu.memory_space<vmem>> -> memref<1x80xi32, #tpu.memory_space<vmem>>
    %dma_wait3A_249 = tpu.memref_squeeze %dma_wait3A_248 : memref<1x80xi32, #tpu.memory_space<vmem>> -> memref<80xi32, #tpu.memory_space<vmem>>
    %dma_wait3A_250 = arith.constant 0 : i32
    %dma_wait3A_251 = arith.constant 0 : i32
    %dma_wait3A_252 = tpu.memref_slice %arg8[%dma_wait3A_250, %dma_wait3A_251] : memref<10000x128xf32, #tpu.memory_space<vmem_shared>> -> memref<10000x128xf32, #tpu.memory_space<vmem_shared>>
    tpu.wait_indirect_dma semaphore(%arg12 : memref<!tpu.dma_semaphore, #tpu.memory_space<semaphore_mem>>) src(%dma_wait3A_246 : memref<80x128xf32, #tpu.memory_space<vmem>>) dst(%dma_wait3A_252 : memref<10000x128xf32, #tpu.memory_space<vmem_shared>>)
    %barrier3A_253 = arith.constant 0 : index
    tpu.barrier barrier_id(%barrier3A_253)
    "tpu.region"() ({
      %run_scoped3A = tpu.sem_alloc : memref<!tpu.dma_semaphore, #tpu.memory_space<semaphore_mem>>
      %dma_start3A_259 = arith.constant 0 : i32
      %dma_start3A_260 = tpu.memref_slice %arg4[%arg0, %mul3A_11, %dma_start3A_259] : memref<2x10000x128xf32, #tpu.memory_space<hbm>> -> memref<1x624x128xf32, #tpu.memory_space<hbm>>
      %dma_start3A_261 = tpu.memref_squeeze %dma_start3A_260 : memref<1x624x128xf32, #tpu.memory_space<hbm>> -> memref<624x128xf32, #tpu.memory_space<hbm>>
      %dma_start3A_262 = arith.constant 0 : i32
      %dma_start3A_263 = tpu.memref_slice %arg8[%mul3A_11, %dma_start3A_262] : memref<10000x128xf32, #tpu.memory_space<vmem_shared>> -> memref<624x128xf32, #tpu.memory_space<vmem_shared>>
      tpu.enqueue_dma source(%dma_start3A_263 : memref<624x128xf32, #tpu.memory_space<vmem_shared>>) target(%dma_start3A_261 : memref<624x128xf32, #tpu.memory_space<hbm>>) target_semaphore(%run_scoped3A : memref<!tpu.dma_semaphore, #tpu.memory_space<semaphore_mem>>)
      %dma_wait3A_264 = arith.constant 0 : i32
      %dma_wait3A_265 = tpu.memref_slice %arg4[%arg0, %mul3A_11, %dma_wait3A_264] : memref<2x10000x128xf32, #tpu.memory_space<hbm>> -> memref<1x624x128xf32, #tpu.memory_space<hbm>>
      %dma_wait3A_266 = tpu.memref_squeeze %dma_wait3A_265 : memref<1x624x128xf32, #tpu.memory_space<hbm>> -> memref<624x128xf32, #tpu.memory_space<hbm>>
      %dma_wait3A_267 = arith.constant 0 : i32
      %dma_wait3A_268 = tpu.memref_slice %arg8[%mul3A_11, %dma_wait3A_267] : memref<10000x128xf32, #tpu.memory_space<vmem_shared>> -> memref<624x128xf32, #tpu.memory_space<vmem_shared>>
      tpu.wait_dma2 semaphore(%run_scoped3A : memref<!tpu.dma_semaphore, #tpu.memory_space<semaphore_mem>>) src(%dma_wait3A_268 : memref<624x128xf32, #tpu.memory_space<vmem_shared>>) dst(%dma_wait3A_266 : memref<624x128xf32, #tpu.memory_space<hbm>>)
      tpu.yield
    }) : () -> ()
    %eq3A_254 = arith.constant 15 : i32
    %eq3A_255 = arith.cmpi eq, %arg1, %eq3A_254 : i32
    %convert_element_type3A_256 = arith.extui %eq3A_255 : i1 to i32
    %cond3A_257 = arith.constant 0 : i32
    %cond3A_258 = arith.cmpi ne, %convert_element_type3A_256, %cond3A_257 : i32
    scf.if %cond3A_258 {
      "tpu.region"() ({
        %run_scoped3A = tpu.sem_alloc : memref<!tpu.dma_semaphore, #tpu.memory_space<semaphore_mem>>
        %dma_start3A_259 = arith.constant 9984 : i32
        %dma_start3A_260 = arith.constant 0 : i32
        %dma_start3A_261 = tpu.memref_slice %arg4[%arg0, %dma_start3A_259, %dma_start3A_260] : memref<2x10000x128xf32, #tpu.memory_space<hbm>> -> memref<1x16x128xf32, #tpu.memory_space<hbm>>
        %dma_start3A_262 = tpu.memref_squeeze %dma_start3A_261 : memref<1x16x128xf32, #tpu.memory_space<hbm>> -> memref<16x128xf32, #tpu.memory_space<hbm>>
        %dma_start3A_263 = arith.constant 9984 : i32
        %dma_start3A_264 = arith.constant 0 : i32
        %dma_start3A_265 = tpu.memref_slice %arg8[%dma_start3A_263, %dma_start3A_264] : memref<10000x128xf32, #tpu.memory_space<vmem_shared>> -> memref<16x128xf32, #tpu.memory_space<vmem_shared>>
        tpu.enqueue_dma source(%dma_start3A_265 : memref<16x128xf32, #tpu.memory_space<vmem_shared>>) target(%dma_start3A_262 : memref<16x128xf32, #tpu.memory_space<hbm>>) target_semaphore(%run_scoped3A : memref<!tpu.dma_semaphore, #tpu.memory_space<semaphore_mem>>)
        %dma_wait3A_266 = arith.constant 9984 : i32
        %dma_wait3A_267 = arith.constant 0 : i32
        %dma_wait3A_268 = tpu.memref_slice %arg4[%arg0, %dma_wait3A_266, %dma_wait3A_267] : memref<2x10000x128xf32, #tpu.memory_space<hbm>> -> memref<1x16x128xf32, #tpu.memory_space<hbm>>
        %dma_wait3A_269 = tpu.memref_squeeze %dma_wait3A_268 : memref<1x16x128xf32, #tpu.memory_space<hbm>> -> memref<16x128xf32, #tpu.memory_space<hbm>>
        %dma_wait3A_270 = arith.constant 9984 : i32
        %dma_wait3A_271 = arith.constant 0 : i32
        %dma_wait3A_272 = tpu.memref_slice %arg8[%dma_wait3A_270, %dma_wait3A_271] : memref<10000x128xf32, #tpu.memory_space<vmem_shared>> -> memref<16x128xf32, #tpu.memory_space<vmem_shared>>
        tpu.wait_dma2 semaphore(%run_scoped3A : memref<!tpu.dma_semaphore, #tpu.memory_space<semaphore_mem>>) src(%dma_wait3A_272 : memref<16x128xf32, #tpu.memory_space<vmem_shared>>) dst(%dma_wait3A_269 : memref<16x128xf32, #tpu.memory_space<hbm>>)
        tpu.yield
      }) : () -> ()
    } else {
    }
    return
  }
}

module attributes {stable_mosaic.version = 14 : i64} {
  func.func @body(%arg0: i32, %arg1: memref<2x2000x128xf32, #tpu.memory_space<vmem>>, %arg2: memref<2000x128xf32, #tpu.memory_space<vmem>>) attributes {dimension_semantics = [#tpu.dimension_semantics<arbitrary>], iteration_bounds = array<i64: 5>, scalar_prefetch = 0 : i64, scratch_operands = 0 : i64, tpu.core_type = #tpu.core_type<tc>, window_params = [{transform_indices = @transform_0, window_bounds = array<i64: 2, 2000, 128>}, {transform_indices = @transform_1, window_bounds = array<i64: 2000, 128>}]} {
    %get3A = arith.constant 0 : index
    %get3A_0 = arith.constant 0 : index
    %get3A_1 = arith.constant 0 : index
    %get3A_2 = vector.load %arg1[%get3A, %get3A_0, %get3A_1] : memref<2x2000x128xf32, #tpu.memory_space<vmem>>, vector<1x2000x128xf32>
    %get3A_3 = vector.shape_cast %get3A_2 : vector<1x2000x128xf32> to vector<2000x128xf32>
    %get3A_4 = arith.constant 1 : index
    %get3A_5 = arith.constant 0 : index
    %get3A_6 = arith.constant 0 : index
    %get3A_7 = vector.load %arg1[%get3A_4, %get3A_5, %get3A_6] : memref<2x2000x128xf32, #tpu.memory_space<vmem>>, vector<1x2000x128xf32>
    %get3A_8 = vector.shape_cast %get3A_7 : vector<1x2000x128xf32> to vector<2000x128xf32>
    %add3A = arith.addf %get3A_3, %get3A_8 : vector<2000x128xf32>
    %swap3A = arith.constant 0 : index
    %swap3A_9 = arith.constant 0 : index
    %swap3A_10 = vector.load %arg2[%swap3A, %swap3A_9] : memref<2000x128xf32, #tpu.memory_space<vmem>>, vector<2000x128xf32>
    tpu.vector_store %arg2[%swap3A, %swap3A_9], %add3A {strides = array<i32>} : memref<2000x128xf32, #tpu.memory_space<vmem>>, vector<2000x128xf32>,
    return
  }
  func.func @transform_0(%arg0: i32) -> (i32, i32, i32) {
    %c0_i32 = arith.constant 0 : i32
    %c0_i32_0 = arith.constant 0 : i32
    %c0_i32_1 = arith.constant 0 : i32
    return %c0_i32, %arg0, %c0_i32_0 : i32, i32, i32
  }
  func.func @transform_1(%arg0: i32) -> (i32, i32) {
    %c0_i32 = arith.constant 0 : i32
    %c0_i32_0 = arith.constant 0 : i32
    return %arg0, %c0_i32 : i32, i32
  }
}

</mosaic_0001>

<sc_bundles>
// kernel: kernel.4.cloned.1.call-start
scs
__scs_entry_jumppad:
0x0: {  	(pc) =	sbr.rel $0x88, $3  }
0x1: {  	(tag) =	ssettag $0x0;
	lr =	simm.s32 $0x1  }
0x2: {  	[smem:$0x3F9F] =	sst lr;
	_ =	strace $0xD0000000  }
0x3: {  	_ = 	snop  }
0x4: {  	_ = 	snop  }
0x5: {  	_ = 	snop  }
0x6: {  	_ = 	snop  }
0x7: {  	_ = 	snop  }
__scs_overlays_trampoline_lowered:
0x8: {  	[smem:$0x3FAE] =	sst s0  }
0x9: {  	[smem:$0x3FAF] =	sst s1  }
0xa: {  	[smem:$0x3FB0] =	sst s2  }
0xb: {  	[smem:$0x3FB1] =	sst s3  }
0xc: {  	[smem:$0x3FB2] =	sst s4  }
0xd: {  	[smem:$0x3FB3] =	sst s5  }
0xe: {  	[smem:$0x3FB4] =	sst s6  }
0xf: {  	[smem:$0x3FB5] =	sst s7  }
0x10: {  	[smem:$0x3FB6] =	sst s8  }
0x11: {  	[smem:$0x3FB7] =	sst s9;
	s0 =	simm.s32 @!p0 $0x0  }
0x12: {  	s1 =	sld [smem:$0x3F9D];
	s0 =	simm.s32 @p0 $0x1  }
0x13: {  	[smem:$0x3FB8] =	sst s0;
	s0 =	simm.s32 @!p1 $0x0  }
0x14: {  	s2 =	sld [smem:$0x3F9C];
	s0 =	simm.s32 @p1 $0x1  }
0x15: {  	[smem:$0x3FB9] =	sst s0;
	s0 =	simm.s32 @!p2 $0x0  }
0x16: {  	s3 =	sld [smem:$0x3FDB];
	s0 =	simm.s32 @p2 $0x1  }
0x17: {  	s4 =	simm.s32 $0x1BF5;
	[smem:$0x3FBB] =	sst s0  }
0x18: {  	s0 =	sld [smem:$0x3F9E];
	_ =	swait.ge [sflag:s4], $0x0  }
0x19: {  	s7 =	sld [smem:$0x3F9F]  }
0x1a: {  	s8 =	sadd.s32 $0xFFFFE003, lr  }
0x1b: {  	s9 =	sadd.s32 $0xFFFFFEF7, lr;
	s5 =	simm.s32 $0xFFFFFFFF;
	p2 =	slt.u32 s8, $0xFFFFF086  }
0x1c: {  	p1 =	slt.u32 s9, $0xF7A;
	s5 =	simm.s32 @!p2 $0x0  }
0x1d: {  	s5 =	simm.s32 @p1 $0x1;
	p0 =	seq.s32 s7, s2  }
0x1e: {  	s7 =	smul.u32 @!p0 $0xF7A, s2;
	p2 =	seq.s32 @!p0 s5, $0x0  }
0x1f: {  	s9 =	smul.u32 $0xF7A, s1;
	s8 =	simm.s32 @!p0 $0x1BF5;
	p2 =	por !p2, p0  }
0x20: {  	[sflag:s8] =	ssyncset.s32 @!p0 $0xFFFFF086;
	s6 =	sadd.s32 @!p0 s3, s7;
	s7 =	simm.s32 @!p0 $0x108  }
0x21: {  	s3 =	sadd.s32 s3, s9;
	s6 =	sadd.s32 @!p0 $0x88, s6;
	s7 =	simm.s32 @p2 $0x1082  }
0x22: {  	[simem:s7], [sflag:s8] =	dma.local @!p0 [hbm:s6], $0xF7A  }
0x23: {  	s9 =	sor.u32 $0xD0000000, s2;
	s6 =	simm.s32 $0x108;
	_ =	swait.ge @!p0 [sflag:s8], $0x0  }
0x24: {  	s3 =	sadd.s32 $0x88, s3;
	s6 =	simm.s32 @!p1 $0x1082;
	[sflag:s4] =	ssyncset.s32 $0xFFFFF086  }
0x25: {  	[simem:s6], [sflag:s4] =	dma.local [hbm:s3], $0xF7A  }
0x26: {  	[smem:$0x3F9F] =	sst s1;
	(tag) =	ssettag s2;
	_ =	strace s9  }
0x27: {  	s1 =	sld [smem:$0x3FAF]  }
0x28: {  	s2 =	sld [smem:$0x3FB0]  }
0x29: {  	s4 =	sld [smem:$0x3FB2]  }
0x2a: {  	p0 =	seq.s32 s5, $0x0;
	s5 =	sld [smem:$0x3FB3]  }
0x2b: {  	s6 =	sld [smem:$0x3FB4]  }
0x2c: {  	s7 =	sld [smem:$0x3FB5]  }
0x2d: {  	s3 =	simm.s32 $0x108;
	s8 =	sld [smem:$0x3FB6]  }
0x2e: {  	s3 =	simm.s32 @!p0 $0x1082;
	s9 =	sld [smem:$0x3FB7]  }
0x2f: {  	lr =	sadd.s32 s0, s3;
	s0 =	sld [smem:$0x3FAE]  }
0x30: {  	s3 =	sld [smem:$0x3FB1]  }
0x31: {  	[smem:$0x3FBA] =	sst s10  }
0x32: {  	s10 =	sld [smem:$0x3FB8];
	_ =	sdelay $0x3  }
0x33: {  	p0 =	seq.s32 s10, $0x1;
	s10 =	sld [smem:$0x3FBA];
	_ =	sdelay $0x3  }
0x34: {  	[smem:$0x3FBA] =	sst s10  }
0x35: {  	s10 =	sld [smem:$0x3FB9];
	_ =	sdelay $0x3  }
0x36: {  	p1 =	seq.s32 s10, $0x1;
	s10 =	sld [smem:$0x3FBA];
	_ =	sdelay $0x3  }
0x37: {  	[smem:$0x3FBA] =	sst s10  }
0x38: {  	s10 =	sld [smem:$0x3FBB]  }
0x39: {  	_ = 	snop;
	(pc) =	sbr.ind lr, $3  }
0x3a: {  	_ = 	snop  }
0x3b: {  	_ = 	snop  }
0x3c: {  	p2 =	seq.s32 s10, $0x1;
	s10 =	sld [smem:$0x3FBA]  }
0x3d: {  	_ =	shalt  }
0x3e: {  	_ =	shalt  }
0x3f: {  	_ =	shalt  }
0x40: {  	_ =	shalt  }
0x41: {  	_ =	shalt  }
0x42: {  	_ =	shalt  }
0x43: {  	_ =	shalt  }
0x44: {  	_ =	shalt  }
0x45: {  	_ =	shalt  }
0x46: {  	_ =	shalt  }
0x47: {  	_ =	shalt  }
0x48: {  	_ =	shalt  }
0x49: {  	_ =	shalt  }
0x4a: {  	_ =	shalt  }
0x4b: {  	_ =	shalt  }
0x4c: {  	_ =	shalt  }
0x4d: {  	_ =	shalt  }
0x4e: {  	_ =	shalt  }
0x4f: {  	_ =	shalt  }
0x50: {  	_ =	shalt  }
0x51: {  	_ =	shalt  }
0x52: {  	_ =	shalt  }
0x53: {  	_ =	shalt  }
0x54: {  	_ =	shalt  }
0x55: {  	_ =	shalt  }
0x56: {  	_ =	shalt  }
0x57: {  	_ =	shalt  }
0x58: {  	_ =	shalt  }
0x59: {  	_ =	shalt  }
0x5a: {  	_ =	shalt  }
0x5b: {  	_ =	shalt  }
0x5c: {  	_ =	shalt  }
0x5d: {  	_ =	shalt  }
0x5e: {  	_ =	shalt  }
0x5f: {  	_ =	shalt  }
0x60: {  	_ =	shalt  }
0x61: {  	_ =	shalt  }
0x62: {  	_ =	shalt  }
0x63: {  	_ =	shalt  }
0x64: {  	_ =	shalt  }
0x65: {  	_ =	shalt  }
0x66: {  	_ =	shalt  }
0x67: {  	_ =	shalt  }
0x68: {  	_ =	shalt  }
0x69: {  	_ =	shalt  }
0x6a: {  	_ =	shalt  }
0x6b: {  	_ =	shalt  }
0x6c: {  	_ =	shalt  }
0x6d: {  	_ =	shalt  }
0x6e: {  	_ =	shalt  }
0x6f: {  	_ =	shalt  }
0x70: {  	_ =	shalt  }
0x71: {  	_ =	shalt  }
0x72: {  	_ =	shalt  }
0x73: {  	_ =	shalt  }
0x74: {  	_ =	shalt  }
0x75: {  	_ =	shalt  }
0x76: {  	_ =	shalt  }
0x77: {  	_ =	shalt  }
0x78: {  	_ =	shalt  }
0x79: {  	_ =	shalt  }
0x7a: {  	_ =	shalt  }
0x7b: {  	_ =	shalt  }
0x7c: {  	_ =	shalt  }
0x7d: {  	_ =	shalt  }
0x7e: {  	_ =	shalt  }
0x7f: {  	_ =	shalt  }
0x80: {  	_ =	shalt  }
0x81: {  	_ =	shalt  }
0x82: {  	_ =	shalt  }
0x83: {  	_ =	shalt  }
0x84: {  	_ =	shalt  }
0x85: {  	_ =	shalt  }
0x86: {  	_ =	shalt  }
0x87: {  	_ =	shalt  }
.Lfunc_end0:
.L_simem_size_0:
called_computation_lowered:
.L_overlay_start_0:
0x88: {  	s2 =	sld [smem:$0x3FD9]  }
0x89: {  	s3 =	sld [smem:$0x3FFE];
	_ =	sdelay $0x1  }
0x8a: {  	s1 =	srdreg.scid  }
0x8b: {  	s0 =	sand.u32 $0x1, s1  }
0x8c: {  	s17 =	sshll.u32 s0, $0xA;
	s2 =	sadd.s32 s3, s2  }
0x8d: {  	s2 =	sadd.s32 s2, s17  }
0x8e: {  	[smem:$0x3FC6] =	sst s2  }
0x8f: {  	_ = 	snop  }
0x90: {  	s2 =	sld [smem:$0x3FC8]  }
0x91: {  	s18 =	sld [smem:$0x3FD0];
	(tm) =	ssettm $0x1  }
0x92: {  	s4 =	sld [smem:$0x3FFB];
	_ =	sdelay $0x3  }
0x93: {  	_ =	strace s4  }
0x94: {  	s4 =	sld [smem:$0x3FFC];
	_ =	sdelay $0x3  }
0x95: {  	_ =	strace s4  }
0x96: {  	s4 =	sld [smem:$0x3FFD];
	_ =	sdelay $0x3  }
0x97: {  	_ =	strace s4  }
0x98: {  	_ =	strace $0x8FFFFFFF  }
0x99: {  	s19 =	sld [smem:$0x3FDB];
	_ =	sdelay $0x1  }
0x9a: {  	s5 =	simm.s32 $_scs_section_size  }
0x9b: {  	s6 =	simm.s32 $_size__tile_overlayer_lowered;
	s7 =	simm.s32 $_tile_overlayer_lowered  }
0x9c: {  	s22 =	simm.s32 $0x1BFF;
	s21 =	sshll.u32 s7, $0x1;
	s4 =	sadd.s32 s5, s19  }
0x9d: {  	s8 =	simm.s32 $0x0;
	s20 =	sshll.u32 s6, $0x1;
	s6 =	sadd.s32 s21, s4  }
0x9e: {  	[timem:s8], [sflag:s22] =	dma.local [hbm:s6], s20  }
0x9f: {  	_ =	swait.ge [sflag:s22], s20  }
0xa0: {  	s5 =	ssub.s32 $0x0, s20;
	[sflag:s22] =	ssyncset.done $0x0  }
0xa1: {  	[sflag:s22] =	ssyncadd.s32 s5;
	_ =	sdelay $0x1  }
0xa2: {  	s23 =	simm.s32 $0x1B8B  }
0xa3: {  	_ =	swait.ge [sflag:s23], $0x1  }
0xa4: {  	[sflag:s23] =	ssyncset.done $0x0  }
0xa5: {  	s25 =	simm.s32 $0x1B8E;
	s24 =	sld [smem:$0x3FFE];
	[sflag:s23] =	ssyncadd.s32 $0xFFFFFFFF  }
0xa6: {  	s26 =	simm.s32 $execute0_lowered;
	[smem:$0x3FD2] =	sst s25  }
0xa7: {  	s6 =	sshll.u32 s26, $0x1;
	_ =	strace $0x80000046;
	[dreg:$0x1] =	wrdreg $0xFFFFFFFF  }
0xa8: {  	s28 =	simm.s32 $_size_execute0_lowered;
	s4 =	sadd.s32 s4, s6;
	[dreg:$0x0] =	wrdreg $0x0  }
0xa9: {  	s6 =	sshll.u32 s28, $0x1;
	[dreg:$0x2] =	wrdreg s4  }
0xaa: {  	[dreg:$0x3] =	wrdreg s6  }
0xab: {  	[dreg:$0x4] =	wrdreg $0xC0  }
0xac: {  	_ =	task [dreg:s8], $0x5FFFF  }
0xad: {  	[dreg:$0x1] =	wrdreg $0xFFFFFFFF  }
0xae: {  	[dreg:$0x0] =	wrdreg $0x60  }
0xaf: {  	[dreg:$0x2] =	wrdreg s18  }
0xb0: {  	[dreg:$0x3] =	wrdreg s2  }
0xb1: {  	[dreg:$0x4] =	wrdreg s24  }
0xb2: {  	[dreg:$0x5] =	wrdreg $0xC4000  }
0xb3: {  	[dreg:$0x6] =	wrdreg $0x9  }
0xb4: {  	_ =	task.clear_ibuf [dreg:s8], $0x7FFFF;
	_ =	strace $0x90000046  }
0xb5: {  	s29 =	simm.s32 $0x9;
	_ =	strace $0x80000048  }
0xb6: {  	_ =	swait.ge [sflag:s29], $0x1  }
0xb7: {  	[sflag:s29] =	ssyncadd.s32 $0xFFFFFFFF  }
0xb8: {  	_ =	strace $0x90000048  }
0xb9: {  	_ =	sfence  }
0xba: {  	s30 =	sld [smem:$0x0];
	_ =	sdelay $0x2  }
0xbb: {  	s31 =	sshll.u32 s1, $0xD;
	s1 =	sshrl.u32 s1, $0x2  }
0xbc: {  	s3 =	sand.u32 $0x4000, s31;
	s1 =	sadd.s32 s1, s30  }
0xbd: {  	s0 =	sor.u32 s3, s0;
	s1 =	sshll.u32 s1, $0x11  }
0xbe: {  	s0 =	sor.u32 s1, s0  }
0xbf: {  	s0 =	sadd.s32 $0x8F2B, s0  }
0xc0: {  	[sflag:s0] =	ssyncadd.remote.s32 $0x1  }
0xc1: {  	_ =	sfence.sel $0xFFFF  }
0xc2: {  	[dreg:$0x0] =	wrdreg $0xFFFFFFFF;
	(pc) =	sbr.abs _section_cstart, $3  }
0xc3: {  	[dreg:$0x1] =	wrdreg $0xFFFFFFFF  }
0xc4: {  	_ =	task.clear_ibuf [dreg:s8], $0x2FFFF;
	_ =	strace $0x9FFFFFFF  }
0xc5: {  	(tm) =	ssettm $0x7FFFFFFF  }
tec
execute0_lowered:
.L_overlay_start_1:
0x0: {  	(tag) =	ssettag $0x1  }
0x1: {  	s1 =	rddreg [dreg:$0x0]  }
0x2: {  	s4 =	rddreg [dreg:$0x1]  }
0x3: {  	s0 =	srdreg.scid;
	s5 =	rddreg [dreg:$0x2]  }
0x4: {  	s14 =	stileid.u32;
	s2 =	rddreg [dreg:$0x3]  }
0x5: {  	s6 =	sand.u32 $0x1, s0;
	s0 =	sshll.u32 s14, $0x1;
	s9 =	smul.u32 $0x4E000, s14  }
0x6: {  	s3 =	simm.s32 $0x0;
	s18 =	smul.u32 $0x13800, s14;
	s7 =	sor.u32 s6, s0  }
0x7: {  	[smem:$0x7FF] =	sst s3;
	s8 =	smul.u32 $0x27100, s7  }
0x8: {  	s12 =	sadd.s32 $0x600, s5;
	p0 =	sne.s32 s14, $0xF;
	s11 =	smul.u32 $0x7D, s7  }
0x9: {  	_ =	strace $0x80000047;
	s10 =	ssub.s32 $0x2, s6;
	s13 =	smul.u32 $0x7D0, s7  }
0xa: {  	s20 =	sshrl.u32 s10, $0x1;
	s21 =	sshrl.u32 s9, $0x2;
	s7 =	smul.u32 $0x138800, s7  }
0xb: {  	s17 =	smul.u32 $0x138800, s6;
	s10 =	ssub.s32 s10, s20;
	s5 =	sadd.s32 s21, s2  }
0xc: {  	s15 =	sadd.s32 s4, s8;
	s22 =	sand.u32 $0xFF80, s13;
	s7 =	sshrl.u32 s7, $0x3  }
0xd: {  	s23 =	sadd.s32 $0x3E, s11;
	s24 =	sand.u32 $0x7, s11;
	s13 =	smul.u32 $0x27100, s6  }
0xe: {  	s10 =	smax.u32 s10, $0x1;
	s8 =	sadd.s32 s1, s22;
	s7 =	sadd.s32 s4, s7  }
0xf: {  	s25 =	sand.u32 $0x1FF8, s23;
	s9 =	sshll.u32 s24, $0x7;
	s22 =	sadd.s32 s18, s17  }
0x10: {  	s24 =	sshrl.u32 s17, $0x3;
	s17 =	smul.u32 $0xFA00, s6;
	[dreg:$0x10] =	wrdreg s10  }
0x11: {  	s10 =	sadd.s32 $0x26200, s15;
	[dreg:$0x5] =	wrdreg s8;
	s26 =	sadd.s32 $0xA00, s7  }
0x12: {  	s11 =	smin.u32 s25, $0xF58;
	s29 =	sadd.s32 $0xBE00, s9;
	s16 =	sadd.s32 $0xBE80, s9  }
0x13: {  	s19 =	sadd.s32 $0x14000, s7;
	s25 =	smul.u32 $0x7D, s6;
	[dreg:$0x6] =	wrdreg s26  }
0x14: {  	s7 =	sadd.s32 $0x26C00, s7;
	s6 =	smul.u32 $0x3, s6;
	[dreg:$0x7] =	wrdreg s29  }
0x15: {  	s18 =	sor.u32 $0xBC00, s9;
	[dreg:$0x8] =	wrdreg s16;
	s8 =	ssub.s32 s23, s11  }
0x16: {  	s11 =	sshll.u32 s11, $0x4;
	[dreg:$0xa] =	wrdreg s19;
	s23 =	smul.u32 $0xFA, s14  }
0x17: {  	[dreg:$0xd] =	wrdreg s7;
	s7 =	sshrl.u32 s22, $0x3;
	s29 =	smul.u32 $0x4E200, s14  }
0x18: {  	s26 =	sadd.s32 s12, s24;
	s16 =	smul.u32 $0x1F400, s14;
	[dreg:$0x11] =	wrdreg s18  }
0x19: {  	s19 =	sadd.s32 $0xBC80, s9;
	s22 =	sadd.s32 $0xBD80, s9;
	s14 =	simm.s32 $0x4  }
0x1a: {  	s18 =	simm.s32 $0x2;
	s8 =	sshll.u32 s8, $0x9;
	s1 =	sadd.s32 s1, s11  }
0x1b: {  	s7 =	sadd.s32 s12, s7;
	s0 =	ssub.s32 s0, s6;
	[dreg:$0x12] =	wrdreg s19  }
0x1c: {  	[dreg:$0x14] =	wrdreg s22;
	s6 =	sadd.s32 $0xF000, s5;
	s11 =	simm.s32 $0x5000  }
0x1d: {  	s19 =	simm.s32 $0x7800;
	[dreg:$0x9] =	wrdreg s1;
	s1 =	sshra.s32 s8, $0x2  }
0x1e: {  	[dreg:$0xe] =	wrdreg s7;
	s7 =	sadd.s32 $0x27000, s26;
	s12 =	sadd.s32 s25, s23  }
0x1f: {  	s4 =	sadd.s32 s29, s4;
	s8 =	sadd.s32 s17, s16;
	s0 =	sand.u32 $0x7, s0  }
0x20: {  	s16 =	simm.s32 $0x50;
	s20 =	sadd.s32 $0xBE00, s1;
	[dreg:$0xf] =	wrdreg s7  }
0x21: {  	s17 =	simm.s32 $0x3;
	s21 =	sadd.s32 $0xBE80, s1;
	[dreg:$0xb] =	wrdreg s20  }
0x22: {  	s7 =	sadd.s32 $0x3E, s12;
	s23 =	sadd.s32 $0xBF00, s1;
	[dreg:$0xc] =	wrdreg s21  }
0x23: {  	s4 =	sadd.s32 s13, s4;
	s24 =	sadd.s32 $0xBC00, s1;
	[dreg:$0x15] =	wrdreg s23  }
0x24: {  	s25 =	sadd.s32 $0xBC80, s1;
	s26 =	sadd.s32 $0xBD00, s1;
	[dreg:$0x16] =	wrdreg s24  }
0x25: {  	s1 =	sadd.s32 $0xBD80, s1;
	s0 =	sshll.u32 s0, $0x7;
	[dreg:$0x17] =	wrdreg s25  }
0x26: {  	s12 =	simm.s32 $0xA000;
	s13 =	simm.s32 $0x5;
	[dreg:$0x18] =	wrdreg s26  }
0x27: {  	s7 =	sand.u32 $0x3FF8, s7;
	s21 =	sadd.s32 $0xBD00, s9;
	[dreg:$0x19] =	wrdreg s1  }
0x28: {  	s28 =	sor.u32 $0xA000, s0;
	s23 =	sadd.s32 $0x1E00, s4;
	s30 =	sadd.s32 $0x15400, s4  }
0x29: {  	s1 =	sadd.s32 $0x5000, s5;
	s0 =	sadd.s32 $0xA000, s5;
	s7 =	smin.u32 s7, $0xF58  }
0x2a: {  	s9 =	sadd.s32 $0x12C00, s15;
	s26 =	smov.u32 s15;
	s7 =	sshll.u32 s7, $0x9  }
0x2b: {  	s4 =	simm.s32 $0x2800;
	[dreg:$0x13] =	wrdreg s21;
	s20 =	ssub.s32 s8, s7  }
0x2c: {  	s7 =	sadd.s32 $0x138000, s2;
	s8 =	sadd.s32 $0x13600, s15;
	s29 =	sshra.s32 s20, $0x2  }
0x2d: {  	v0 =	vimm.f32 $0.0e+00;
	s15 =	simm.s32 $0x1;
	s20 =	simm.s32 $0x0;
	s31 =	sadd.s32 $0xA000, s29  }
.LBB2_1:
0x2e: {  	[tilespmem:s3], [sflag:$0x1] =	stream.linear.gather [hbm4b:s26+s3], $0x5000, $0x38;
	[tilespmem:$0x1FC80] =	vst v63  }
0x2f: {  	s21 =	simm.s32 $0x70;
	s22 =	simm.s32 $0x3C0  }
.LBB2_2:
0x30: {  	p1 =	sne.s32 s22, $0x13FC0;
	[tilespmem:s21+$0x5000] =	vst v0  }
0x31: {  	[tilespmem:s21+$0x4F90] =	vst v0  }
0x32: {  	[tilespmem:s21+$0x4FA0] =	vst v0  }
.Ltmp0:
0x33: {  	[tilespmem:s21+$0x4FB0] =	vst v0;
	(pc) =	sbr.rel @p1 .LBB2_2-.Ltmp0, $4  }
0x34: {  	[tilespmem:s21+$0x4FC0] =	vst v0  }
0x35: {  	[tilespmem:s21+$0x4FD0] =	vst v0  }
0x36: {  	[tilespmem:s21+$0x4FE0] =	vst v0  }
0x37: {  	[tilespmem:s21+$0x4FF0] =	vst v0;
	s21 =	sshra.s32 s22, $0x2;
	s22 =	sadd.s32 $0x200, s22  }
0x38: {  	[tilespmem:s21+$0x5000] =	vst v0  }
0x39: {  	[tilespmem:s21+$0x4F90] =	vst v0  }
0x3a: {  	[tilespmem:s21+$0x4FA0] =	vst v0  }
0x3b: {  	[tilespmem:s21+$0x4FB0] =	vst v0  }
0x3c: {  	[tilespmem:s21+$0x4FC0] =	vst v0  }
0x3d: {  	[tilespmem:s21+$0x4FD0] =	vst v0  }
0x3e: {  	[tilespmem:s21+$0x4FE0] =	vst v0  }
0x3f: {  	[tilespmem:s21+$0x4FF0] =	vst v0  }
0x40: {  	[spmem:s5] =	stream.linear.scatter [tilespmem:s11], [sflag:$0x4], $0x5000, $0x38;
	[tilespmem:$0x1FC80] =	vst v63  }
0x41: {  	_ = 	snop  }
0x42: {  	[spmem:s1] =	stream.linear.scatter [tilespmem:s11], [sflag:$0x4], $0x5000, $0x38;
	[tilespmem:$0x1FC80] =	vst v63  }
0x43: {  	_ = 	snop  }
0x44: {  	[spmem:s0] =	stream.linear.scatter [tilespmem:s11], [sflag:$0x4], $0x5000, $0x38;
	[tilespmem:$0x1FC80] =	vst v63  }
0x45: {  	_ = 	snop  }
0x46: {  	[spmem:s6] =	stream.linear.scatter [tilespmem:s11], [sflag:$0x4], $0x4800, $0x38;
	[tilespmem:$0x1FC80] =	vst v63  }
0x47: {  	s21 =	simm.s32 @!p0 $0x5000  }
0x48: {  	[spmem:s7] =	stream.linear.scatter @!p0 [tilespmem:s21], [sflag:$0x5], $0x800, $0x38;
	[tilespmem:$0x1FC80] =	vst v63  }
0x49: {  	s21 =	simm.s32 @!p0 $0x5  }
0x4a: {  	_ =	swait.ge @!p0 [sflag:s21], $0x800  }
0x4b: {  	[sflag:s21] =	ssyncset.done @!p0 $0x0  }
0x4c: {  	s25 =	simm.s32 $0x0;
	s22 =	rddreg [dreg:$0x5];
	[sflag:s21] =	ssyncadd.s32 @!p0 $0xFFFFF800  }
0x4d: {  	[tilespmem:s12], [sflag:$0x5] =	stream.linear.gather [hbm4b:s22+s25], $0x2400, $0x38;
	[tilespmem:$0x1FC80] =	vst v63  }
0x4e: {  	_ =	swait.ge [sflag:s13], $0x2400  }
0x4f: {  	[sflag:s13] =	ssyncset.done $0x0  }
0x50: {  	[sflag:s13] =	ssyncadd.s32 $0xFFFFDC00  }
0x51: {  	_ =	swait.ge [sflag:s14], $0x5000  }
0x52: {  	[sflag:s14] =	ssyncset.done $0x0  }
0x53: {  	[sflag:s14] =	ssyncadd.s32 $0xFFFFB000  }
0x54: {  	_ =	swait.ge [sflag:s14], $0x5000  }
0x55: {  	[sflag:s14] =	ssyncset.done $0x0  }
0x56: {  	[sflag:s14] =	ssyncadd.s32 $0xFFFFB000  }
0x57: {  	_ =	swait.ge [sflag:s14], $0x5000  }
0x58: {  	[sflag:s14] =	ssyncset.done $0x0  }
0x59: {  	[sflag:s14] =	ssyncadd.s32 $0xFFFFB000  }
0x5a: {  	_ =	swait.ge [sflag:s14], $0x4800  }
0x5b: {  	[sflag:s14] =	ssyncset.done $0x0  }
0x5c: {  	s24 =	rddreg [dreg:$0x6];
	[sflag:s14] =	ssyncadd.s32 $0xFFFFB800  }
0x5d: {  	[tilespmem:s11], [sflag:$0x2] =	stream.linear.gather [hbm4b:s24+s25], $0x5000, $0x38;
	[tilespmem:$0x1FC80] =	vst v63  }
0x5e: {  	[bflag:$0x0] =	sbarrier.arrive $0xFFFF  }
0x5f: {  	_ =	swait.ge [sflag:s15], $0x5000  }
0x60: {  	[sflag:s15] =	ssyncset.done $0x0  }
0x61: {  	s21 =	sadd.s32 $0x0, s28;
	[sflag:s15] =	ssyncadd.s32 $0xFFFFB000  }
0x62: {  	[spmem:s2] =	stream.indirect.scatter.add.f32 [tilespmem:s3], [sflag:$0x3], $0x80, s21, s16, $0xb8;
	[tilespmem:$0x1FC80] =	vst v63  }
0x63: {  	s25 =	sadd.s32 $0x80, s21  }
0x64: {  	[spmem:s2] =	stream.indirect.scatter.add.f32 [tilespmem:s4], [sflag:$0x3], $0x80, s25, s16, $0xb8;
	[tilespmem:$0x1FC80] =	vst v63  }
0x65: {  	_ =	swait.ge [sflag:s17], $0x2800  }
0x66: {  	[sflag:s17] =	ssyncset.done $0x0  }
0x67: {  	[sflag:s17] =	ssyncadd.s32 $0xFFFFD800  }
0x68: {  	_ =	swait.ge [sflag:s17], $0x2800  }
0x69: {  	[sflag:s17] =	ssyncset.done $0x0  }
0x6a: {  	s24 =	sadd.s32 $0xFFFFF600, s23;
	[sflag:s17] =	ssyncadd.s32 $0xFFFFD800  }
0x6b: {  	[tilespmem:s3], [sflag:$0x1] =	stream.linear.gather [hbm4b:s24+s3], $0x5000, $0x38;
	[tilespmem:$0x1FC80] =	vst v63  }
0x6c: {  	_ =	swait.ge [sflag:s18], $0x5000  }
0x6d: {  	[sflag:s18] =	ssyncset.done $0x0  }
0x6e: {  	s25 =	sadd.s32 $0x100, s21;
	[sflag:s18] =	ssyncadd.s32 $0xFFFFB000  }
0x6f: {  	[spmem:s2] =	stream.indirect.scatter.add.f32 [tilespmem:s11], [sflag:$0x4], $0x80, s25, s16, $0xb8;
	[tilespmem:$0x1FC80] =	vst v63  }
0x70: {  	s21 =	sadd.s32 $0x180, s21  }
0x71: {  	[spmem:s2] =	stream.indirect.scatter.add.f32 [tilespmem:s19], [sflag:$0x4], $0x80, s21, s16, $0xb8;
	[tilespmem:$0x1FC80] =	vst v63  }
0x72: {  	_ =	swait.ge [sflag:s14], $0x2800  }
0x73: {  	[sflag:s14] =	ssyncset.done $0x0  }
0x74: {  	[sflag:s14] =	ssyncadd.s32 $0xFFFFD800  }
0x75: {  	_ =	swait.ge [sflag:s14], $0x2800  }
0x76: {  	s29 =	smov.u32 s23;
	[sflag:s14] =	ssyncset.done $0x0  }
0x77: {  	s22 =	sadd.s32 $0x1400, s23;
	s21 =	simm.s32 $0x800;
	[sflag:s14] =	ssyncadd.s32 $0xFFFFD800  }
.LBB2_4:
0x78: {  	[tilespmem:s11], [sflag:$0x2] =	stream.linear.gather [hbm4b:s29+s3], $0x5000, $0x38;
	[tilespmem:$0x1FC80] =	vst v63  }
0x79: {  	s24 =	smov.u32 s21;
	s29 =	smov.u32 s22  }
0x7a: {  	p1 =	sne.s32 s21, $0x6800;
	s21 =	sadd.s32 $0x800, s21;
	_ =	swait.ge [sflag:s15], $0x5000  }
0x7b: {  	s24 =	sshra.s32 s24, $0x2;
	[sflag:s15] =	ssyncset.done $0x0  }
0x7c: {  	s24 =	sadd.s32 s24, s28;
	[sflag:s15] =	ssyncadd.s32 $0xFFFFB000  }
0x7d: {  	[spmem:s2] =	stream.indirect.scatter.add.f32 [tilespmem:s3], [sflag:$0x3], $0x80, s24, s16, $0xb8;
	[tilespmem:$0x1FC80] =	vst v63  }
0x7e: {  	s25 =	sadd.s32 $0x80, s24  }
0x7f: {  	[spmem:s2] =	stream.indirect.scatter.add.f32 [tilespmem:s4], [sflag:$0x3], $0x80, s25, s16, $0xb8;
	[tilespmem:$0x1FC80] =	vst v63  }
0x80: {  	_ =	swait.ge [sflag:s17], $0x2800  }
0x81: {  	[sflag:s17] =	ssyncset.done $0x0  }
0x82: {  	[sflag:s17] =	ssyncadd.s32 $0xFFFFD800  }
0x83: {  	_ =	swait.ge [sflag:s17], $0x2800  }
0x84: {  	[sflag:s17] =	ssyncset.done $0x0  }
0x85: {  	s25 =	sadd.s32 $0xFFFFF600, s22;
	[sflag:s17] =	ssyncadd.s32 $0xFFFFD800  }
0x86: {  	[tilespmem:s3], [sflag:$0x1] =	stream.linear.gather [hbm4b:s25+s3], $0x5000, $0x38;
	[tilespmem:$0x1FC80] =	vst v63  }
0x87: {  	_ =	swait.ge [sflag:s18], $0x5000  }
0x88: {  	[sflag:s18] =	ssyncset.done $0x0  }
0x89: {  	s25 =	sadd.s32 $0x100, s24;
	[sflag:s18] =	ssyncadd.s32 $0xFFFFB000  }
0x8a: {  	[spmem:s2] =	stream.indirect.scatter.add.f32 [tilespmem:s11], [sflag:$0x4], $0x80, s25, s16, $0xb8;
	[tilespmem:$0x1FC80] =	vst v63  }
0x8b: {  	s24 =	sadd.s32 $0x180, s24  }
0x8c: {  	[spmem:s2] =	stream.indirect.scatter.add.f32 [tilespmem:s19], [sflag:$0x4], $0x80, s24, s16, $0xb8;
	[tilespmem:$0x1FC80] =	vst v63  }
0x8d: {  	_ =	swait.ge [sflag:s14], $0x2800  }
.Ltmp1:
0x8e: {  	[sflag:s14] =	ssyncset.done $0x0;
	(pc) =	sbr.rel @p1 .LBB2_4-.Ltmp1, $4  }
0x8f: {  	[sflag:s14] =	ssyncadd.s32 $0xFFFFD800  }
0x90: {  	_ =	swait.ge [sflag:s14], $0x2800  }
0x91: {  	[sflag:s14] =	ssyncset.done $0x0  }
0x92: {  	s22 =	sadd.s32 $0x1400, s22;
	[sflag:s14] =	ssyncadd.s32 $0xFFFFD800  }
0x93: {  	[tilespmem:s11], [sflag:$0x2] =	stream.linear.gather [hbm4b:s29+s3], $0x5000, $0x38;
	[tilespmem:$0x1FC80] =	vst v63  }
0x94: {  	_ =	swait.ge [sflag:s15], $0x5000  }
0x95: {  	[sflag:s15] =	ssyncset.done $0x0  }
0x96: {  	s21 =	simm.s32 $0x0;
	s22 =	rddreg [dreg:$0x11];
	[sflag:s15] =	ssyncadd.s32 $0xFFFFB000  }
0x97: {  	[spmem:s2] =	stream.indirect.scatter.add.f32 [tilespmem:s21], [sflag:$0x3], $0x80, s22, s16, $0xb8;
	[tilespmem:$0x1FC80] =	vst v63  }
0x98: {  	s25 =	rddreg [dreg:$0x12]  }
0x99: {  	[spmem:s2] =	stream.indirect.scatter.add.f32 [tilespmem:s4], [sflag:$0x3], $0x80, s25, s16, $0xb8;
	[tilespmem:$0x1FC80] =	vst v63  }
0x9a: {  	_ =	swait.ge [sflag:s17], $0x2800  }
0x9b: {  	[sflag:s17] =	ssyncset.done $0x0  }
0x9c: {  	[sflag:s17] =	ssyncadd.s32 $0xFFFFD800  }
0x9d: {  	_ =	swait.ge [sflag:s17], $0x2800  }
0x9e: {  	[sflag:s17] =	ssyncset.done $0x0  }
0x9f: {  	[sflag:s17] =	ssyncadd.s32 $0xFFFFD800  }
0xa0: {  	[tilespmem:s21], [sflag:$0x1] =	stream.linear.gather [hbm4b:s9+s21], $0x5000, $0x38;
	[tilespmem:$0x1FC80] =	vst v63  }
0xa1: {  	_ =	swait.ge [sflag:s18], $0x5000  }
0xa2: {  	[sflag:s18] =	ssyncset.done $0x0  }
0xa3: {  	s24 =	rddreg [dreg:$0x13];
	[sflag:s18] =	ssyncadd.s32 $0xFFFFB000  }
0xa4: {  	[spmem:s2] =	stream.indirect.scatter.add.f32 [tilespmem:s11], [sflag:$0x4], $0x80, s24, s16, $0xb8;
	[tilespmem:$0x1FC80] =	vst v63  }
0xa5: {  	s25 =	rddreg [dreg:$0x14]  }
0xa6: {  	[spmem:s2] =	stream.indirect.scatter.add.f32 [tilespmem:s19], [sflag:$0x4], $0x80, s25, s16, $0xb8;
	[tilespmem:$0x1FC80] =	vst v63  }
0xa7: {  	_ =	swait.ge [sflag:s14], $0x2800  }
0xa8: {  	[sflag:s14] =	ssyncset.done $0x0  }
0xa9: {  	[sflag:s14] =	ssyncadd.s32 $0xFFFFD800  }
0xaa: {  	_ =	swait.ge [sflag:s14], $0x2800  }
0xab: {  	[sflag:s14] =	ssyncset.done $0x0  }
0xac: {  	[sflag:s14] =	ssyncadd.s32 $0xFFFFD800  }
0xad: {  	_ =	swait.ge [sflag:s15], $0x5000  }
0xae: {  	[sflag:s15] =	ssyncset.done $0x0  }
0xaf: {  	s24 =	rddreg [dreg:$0x7];
	[sflag:s15] =	ssyncadd.s32 $0xFFFFB000  }
0xb0: {  	[spmem:s2] =	stream.indirect.scatter.add.f32 [tilespmem:s21], [sflag:$0x3], $0x80, s24, s16, $0xb8;
	[tilespmem:$0x1FC80] =	vst v63  }
0xb1: {  	s25 =	rddreg [dreg:$0x8]  }
0xb2: {  	[spmem:s2] =	stream.indirect.scatter.add.f32 [tilespmem:s4], [sflag:$0x3], $0x80, s25, s16, $0xb8;
	[tilespmem:$0x1FC80] =	vst v63  }
0xb3: {  	_ =	swait.ge [sflag:s17], $0x2800  }
0xb4: {  	[sflag:s17] =	ssyncset.done $0x0  }
0xb5: {  	[sflag:s17] =	ssyncadd.s32 $0xFFFFD800  }
0xb6: {  	_ =	swait.ge [sflag:s17], $0x2800  }
0xb7: {  	[sflag:s17] =	ssyncset.done $0x0  }
0xb8: {  	s24 =	rddreg [dreg:$0x9];
	[sflag:s17] =	ssyncadd.s32 $0xFFFFD800  }
0xb9: {  	[tilespmem:s12], [sflag:$0x5] =	stream.linear.gather [hbm4b:s24+s21], $0x2400, $0x38;
	[tilespmem:$0x1FC80] =	vst v63  }
0xba: {  	_ =	swait.ge [sflag:s13], $0x2400  }
0xbb: {  	[sflag:s13] =	ssyncset.done $0x0  }
0xbc: {  	[sflag:s13] =	ssyncadd.s32 $0xFFFFDC00  }
0xbd: {  	[tilespmem:s21], [sflag:$0x1] =	stream.linear.gather [hbm4b:s8+s21], $0x5000, $0x38;
	[tilespmem:$0x1FC80] =	vst v63  }
0xbe: {  	s25 =	rddreg [dreg:$0xa]  }
0xbf: {  	[tilespmem:s11], [sflag:$0x2] =	stream.linear.gather [hbm4b:s25+s21], $0x5000, $0x38;
	[tilespmem:$0x1FC80] =	vst v63  }
0xc0: {  	_ =	swait.ge [sflag:s15], $0x5000  }
0xc1: {  	s21 =	sadd.s32 $0x0, s31;
	[sflag:s15] =	ssyncset.done $0x0  }
0xc2: {  	s24 =	sadd.s32 $0x1F00, s21;
	[sflag:s15] =	ssyncadd.s32 $0xFFFFB000  }
0xc3: {  	[spmem:s2] =	stream.indirect.scatter.add.f32 [tilespmem:s3], [sflag:$0x3], $0x80, s24, s16, $0xb8;
	[tilespmem:$0x1FC80] =	vst v63  }
0xc4: {  	s25 =	sadd.s32 $0x1F80, s21  }
0xc5: {  	[spmem:s2] =	stream.indirect.scatter.add.f32 [tilespmem:s4], [sflag:$0x3], $0x80, s25, s16, $0xb8;
	[tilespmem:$0x1FC80] =	vst v63  }
0xc6: {  	_ =	swait.ge [sflag:s17], $0x2800  }
0xc7: {  	[sflag:s17] =	ssyncset.done $0x0  }
0xc8: {  	[sflag:s17] =	ssyncadd.s32 $0xFFFFD800  }
0xc9: {  	_ =	swait.ge [sflag:s17], $0x2800  }
0xca: {  	[sflag:s17] =	ssyncset.done $0x0  }
0xcb: {  	s24 =	sadd.s32 $0xFFFFF600, s30;
	[sflag:s17] =	ssyncadd.s32 $0xFFFFD800  }
0xcc: {  	[tilespmem:s3], [sflag:$0x1] =	stream.linear.gather [hbm4b:s24+s3], $0x5000, $0x38;
	[tilespmem:$0x1FC80] =	vst v63  }
0xcd: {  	_ =	swait.ge [sflag:s18], $0x5000  }
0xce: {  	[sflag:s18] =	ssyncset.done $0x0  }
0xcf: {  	s25 =	sadd.s32 $0x2000, s21;
	[sflag:s18] =	ssyncadd.s32 $0xFFFFB000  }
0xd0: {  	[spmem:s2] =	stream.indirect.scatter.add.f32 [tilespmem:s11], [sflag:$0x4], $0x80, s25, s16, $0xb8;
	[tilespmem:$0x1FC80] =	vst v63  }
0xd1: {  	s21 =	sadd.s32 $0x2080, s21  }
0xd2: {  	[spmem:s2] =	stream.indirect.scatter.add.f32 [tilespmem:s19], [sflag:$0x4], $0x80, s21, s16, $0xb8;
	[tilespmem:$0x1FC80] =	vst v63  }
0xd3: {  	_ =	swait.ge [sflag:s14], $0x2800  }
0xd4: {  	[sflag:s14] =	ssyncset.done $0x0  }
0xd5: {  	[sflag:s14] =	ssyncadd.s32 $0xFFFFD800  }
0xd6: {  	_ =	swait.ge [sflag:s14], $0x2800  }
0xd7: {  	s29 =	smov.u32 s30;
	[sflag:s14] =	ssyncset.done $0x0  }
0xd8: {  	s22 =	sadd.s32 $0x1400, s30;
	s21 =	simm.s32 $0x800;
	[sflag:s14] =	ssyncadd.s32 $0xFFFFD800  }
.LBB2_6:
0xd9: {  	[tilespmem:s11], [sflag:$0x2] =	stream.linear.gather [hbm4b:s29+s3], $0x5000, $0x38;
	[tilespmem:$0x1FC80] =	vst v63  }
0xda: {  	s24 =	sshra.s32 s21, $0x2;
	p1 =	sne.s32 s21, $0x6800;
	_ =	swait.ge [sflag:s15], $0x5000  }
0xdb: {  	s21 =	sadd.s32 $0x800, s21;
	s24 =	sadd.s32 s24, s31;
	[sflag:s15] =	ssyncset.done $0x0  }
0xdc: {  	s29 =	smov.u32 s22;
	s25 =	sadd.s32 $0x1F00, s24;
	[sflag:s15] =	ssyncadd.s32 $0xFFFFB000  }
0xdd: {  	[spmem:s2] =	stream.indirect.scatter.add.f32 [tilespmem:s3], [sflag:$0x3], $0x80, s25, s16, $0xb8;
	[tilespmem:$0x1FC80] =	vst v63  }
0xde: {  	s25 =	sadd.s32 $0x1F80, s24  }
0xdf: {  	[spmem:s2] =	stream.indirect.scatter.add.f32 [tilespmem:s4], [sflag:$0x3], $0x80, s25, s16, $0xb8;
	[tilespmem:$0x1FC80] =	vst v63  }
0xe0: {  	_ =	swait.ge [sflag:s17], $0x2800  }
0xe1: {  	[sflag:s17] =	ssyncset.done $0x0  }
0xe2: {  	[sflag:s17] =	ssyncadd.s32 $0xFFFFD800  }
0xe3: {  	_ =	swait.ge [sflag:s17], $0x2800  }
0xe4: {  	[sflag:s17] =	ssyncset.done $0x0  }
0xe5: {  	s25 =	sadd.s32 $0xFFFFF600, s22;
	[sflag:s17] =	ssyncadd.s32 $0xFFFFD800  }
0xe6: {  	[tilespmem:s3], [sflag:$0x1] =	stream.linear.gather [hbm4b:s25+s3], $0x5000, $0x38;
	[tilespmem:$0x1FC80] =	vst v63  }
0xe7: {  	_ =	swait.ge [sflag:s18], $0x5000  }
0xe8: {  	[sflag:s18] =	ssyncset.done $0x0  }
0xe9: {  	s25 =	sadd.s32 $0x2000, s24;
	[sflag:s18] =	ssyncadd.s32 $0xFFFFB000  }
0xea: {  	[spmem:s2] =	stream.indirect.scatter.add.f32 [tilespmem:s11], [sflag:$0x4], $0x80, s25, s16, $0xb8;
	[tilespmem:$0x1FC80] =	vst v63  }
0xeb: {  	s24 =	sadd.s32 $0x2080, s24  }
0xec: {  	[spmem:s2] =	stream.indirect.scatter.add.f32 [tilespmem:s19], [sflag:$0x4], $0x80, s24, s16, $0xb8;
	[tilespmem:$0x1FC80] =	vst v63  }
0xed: {  	_ =	swait.ge [sflag:s14], $0x2800  }
.Ltmp2:
0xee: {  	[sflag:s14] =	ssyncset.done $0x0;
	(pc) =	sbr.rel @p1 .LBB2_6-.Ltmp2, $4  }
0xef: {  	[sflag:s14] =	ssyncadd.s32 $0xFFFFD800  }
0xf0: {  	_ =	swait.ge [sflag:s14], $0x2800  }
0xf1: {  	[sflag:s14] =	ssyncset.done $0x0  }
0xf2: {  	s22 =	sadd.s32 $0x1400, s22;
	[sflag:s14] =	ssyncadd.s32 $0xFFFFD800  }
0xf3: {  	[tilespmem:s11], [sflag:$0x2] =	stream.linear.gather [hbm4b:s29+s3], $0x5000, $0x38;
	[tilespmem:$0x1FC80] =	vst v63  }
0xf4: {  	_ =	swait.ge [sflag:s15], $0x5000  }
0xf5: {  	[sflag:s15] =	ssyncset.done $0x0  }
0xf6: {  	s21 =	rddreg [dreg:$0x16];
	[sflag:s15] =	ssyncadd.s32 $0xFFFFB000  }
0xf7: {  	[spmem:s2] =	stream.indirect.scatter.add.f32 [tilespmem:s3], [sflag:$0x3], $0x80, s21, s16, $0xb8;
	[tilespmem:$0x1FC80] =	vst v63  }
0xf8: {  	s29 =	rddreg [dreg:$0x17]  }
0xf9: {  	[spmem:s2] =	stream.indirect.scatter.add.f32 [tilespmem:s4], [sflag:$0x3], $0x80, s29, s16, $0xb8;
	[tilespmem:$0x1FC80] =	vst v63  }
0xfa: {  	_ =	swait.ge [sflag:s17], $0x2800  }
0xfb: {  	[sflag:s17] =	ssyncset.done $0x0  }
0xfc: {  	[sflag:s17] =	ssyncadd.s32 $0xFFFFD800  }
0xfd: {  	_ =	swait.ge [sflag:s17], $0x2800  }
0xfe: {  	[sflag:s17] =	ssyncset.done $0x0  }
0xff: {  	[sflag:s17] =	ssyncadd.s32 $0xFFFFD800  }
0x100: {  	[tilespmem:s3], [sflag:$0x1] =	stream.linear.gather [hbm4b:s10+s3], $0x5000, $0x38;
	[tilespmem:$0x1FC80] =	vst v63  }
0x101: {  	_ =	swait.ge [sflag:s18], $0x5000  }
0x102: {  	[sflag:s18] =	ssyncset.done $0x0  }
0x103: {  	s22 =	rddreg [dreg:$0x18];
	[sflag:s18] =	ssyncadd.s32 $0xFFFFB000  }
0x104: {  	[spmem:s2] =	stream.indirect.scatter.add.f32 [tilespmem:s11], [sflag:$0x4], $0x80, s22, s16, $0xb8;
	[tilespmem:$0x1FC80] =	vst v63  }
0x105: {  	s24 =	rddreg [dreg:$0x19]  }
0x106: {  	[spmem:s2] =	stream.indirect.scatter.add.f32 [tilespmem:s19], [sflag:$0x4], $0x80, s24, s16, $0xb8;
	[tilespmem:$0x1FC80] =	vst v63  }
0x107: {  	_ =	swait.ge [sflag:s14], $0x2800  }
0x108: {  	[sflag:s14] =	ssyncset.done $0x0  }
0x109: {  	[sflag:s14] =	ssyncadd.s32 $0xFFFFD800  }
0x10a: {  	_ =	swait.ge [sflag:s14], $0x2800  }
0x10b: {  	[sflag:s14] =	ssyncset.done $0x0  }
0x10c: {  	[sflag:s14] =	ssyncadd.s32 $0xFFFFD800  }
0x10d: {  	_ =	swait.ge [sflag:s15], $0x5000  }
0x10e: {  	[sflag:s15] =	ssyncset.done $0x0  }
0x10f: {  	s25 =	rddreg [dreg:$0xb];
	[sflag:s15] =	ssyncadd.s32 $0xFFFFB000  }
0x110: {  	[spmem:s2] =	stream.indirect.scatter.add.f32 [tilespmem:s3], [sflag:$0x3], $0x80, s25, s16, $0xb8;
	[tilespmem:$0x1FC80] =	vst v63  }
0x111: {  	s29 =	rddreg [dreg:$0xc]  }
0x112: {  	[spmem:s2] =	stream.indirect.scatter.add.f32 [tilespmem:s4], [sflag:$0x3], $0x80, s29, s16, $0xb8;
	[tilespmem:$0x1FC80] =	vst v63  }
0x113: {  	_ =	swait.ge [sflag:s17], $0x2800  }
0x114: {  	[sflag:s17] =	ssyncset.done $0x0  }
0x115: {  	[sflag:s17] =	ssyncadd.s32 $0xFFFFD800  }
0x116: {  	_ =	swait.ge [sflag:s17], $0x2800  }
0x117: {  	[sflag:s17] =	ssyncset.done $0x0  }
0x118: {  	s22 =	rddreg [dreg:$0xd];
	[sflag:s17] =	ssyncadd.s32 $0xFFFFD800  }
0x119: {  	[tilespmem:s11], [sflag:$0x2] =	stream.linear.gather [hbm4b:s22+s3], $0x2800, $0x38;
	[tilespmem:$0x1FC80] =	vst v63  }
0x11a: {  	_ =	swait.ge [sflag:s18], $0x2800  }
0x11b: {  	[sflag:s18] =	ssyncset.done $0x0  }
0x11c: {  	s24 =	rddreg [dreg:$0x15];
	[sflag:s18] =	ssyncadd.s32 $0xFFFFD800  }
0x11d: {  	[spmem:s2] =	stream.indirect.scatter.add.f32 [tilespmem:s11], [sflag:$0x4], $0x80, s24, s16, $0xb8;
	[tilespmem:$0x1FC80] =	vst v63  }
0x11e: {  	_ =	swait.ge [sflag:s14], $0x2800  }
0x11f: {  	[sflag:s14] =	ssyncset.done $0x0  }
0x120: {  	s25 =	stileid.u32;
	[sflag:s14] =	ssyncadd.s32 $0xFFFFD800  }
0x121: {  	s21 =	sshll.u32 s25, $0x6;
	[bflag:$0x0] =	sbarrier.arrive $0xFFFF  }
0x122: {  	s21 =	sor.u32 $0x1C05, s21;
	s22 =	sshrl.u32 s5, $0x3;
	s24 =	rddreg [dreg:$0xe]  }
0x123: {  	[hbm:s24], [sflag:s21] =	dma.local [spmem:s22], $0x2700  }
0x124: {  	_ =	swait.ge [sflag:s13], $0x2700  }
0x125: {  	[sflag:s13] =	ssyncset.done $0x0  }
0x126: {  	s22 =	sshrl.u32 @!p0 s7, $0x3;
	s24 =	rddreg [dreg:$0xf];
	[sflag:s13] =	ssyncadd.s32 $0xFFFFD900  }
0x127: {  	[hbm:s24], [sflag:s21] =	dma.local @!p0 [spmem:s22], $0x100  }
0x128: {  	s21 =	simm.s32 @!p0 $0x5  }
0x129: {  	_ =	swait.ge @!p0 [sflag:s21], $0x100  }
0x12a: {  	s20 =	sadd.s32 $0x1, s20;
	s29 =	rddreg [dreg:$0x10]  }
0x12b: {  	p1 =	sne.s32 s20, s29  }
.Ltmp3:
0x12c: {  	_ = 	snop;
	(pc) =	sbr.rel @p1 .LBB2_1-.Ltmp3, $3  }
0x12d: {  	_ =	sdelay $0x1  }
0x12e: {  	[sflag:s21] =	ssyncset.done @!p0 $0x0  }
0x12f: {  	[sflag:s21] =	ssyncadd.s32 @!p0 $0xFFFFFF00  }
0x130: {  	_ =	sfence.sel $0x180000  }
0x131: {  	[bflag:$0x0] =	sbarrier.arrive $0xFFFF  }
0x132: {  	_ =	strace $0x90000047  }
0x133: {  	s0 =	stileid.u32;
	[bflag:$0x2] =	sbarrier.arrive $0xFFFF  }
0x134: {  	p0 =	sne.s32 s0, $0x0;
	s0 =	rddreg [dreg:$0x4]  }
0x135: {  	s0 =	sadd.s32 @!p0 $0x100000, s0  }
0x136: {  	[sflag:s0] =	ssyncadd.tile.s32 @!p0 $0x1;
	_ =	shalt  }
.Lfunc_end2:
_tile_overlayer_lowered:
.L_overlay_start_2:
0x137: {  	(tag) =	ssettag $0x2  }
0x138: {  	s0 =	rddreg [dreg:$0x0];
	s2 =	stileid.u32  }
0x139: {  	s1 =	rddreg [dreg:$0x1];
	p0 =	sne.s32 s2, $0x0  }
0x13a: {  	s3 =	rddreg [dreg:$0x2];
	[bflag:$0x3] =	sbarrier.arrive $0xFFFF;
	s2 =	simm.s32 @!p0 $0x1C05  }
0x13b: {  	[timem:s3], [sflag:s2] =	dma.local @!p0 [hbm:s0], s1  }
0x13c: {  	s0 =	simm.s32 @!p0 $0x5  }
0x13d: {  	_ =	swait.ge @!p0 [sflag:s0], s1  }
0x13e: {  	s1 =	ssub.s32 @!p0 $0x0, s1;
	[sflag:s0] =	ssyncset.done @!p0 $0x0  }
0x13f: {  	[sflag:s0] =	ssyncadd.s32 @!p0 s1  }
0x140: {  	[bflag:$0x3] =	sbarrier.arrive $0xFFFF  }
0x141: {  	_ =	shalt  }

</sc_bundles>
